<compile_context>
chip_gen: v7x
topology: tpu7x:2x2x1
jax: 0.10.2.dev20260603
libtpu: 0.0.44.dev20260713+nightly
codegen_flags: <defaults>
</compile_context>

<pallas_src>
import functools

import jax
import jax.numpy as jnp
from jax import lax
from jax.experimental import pallas as pl
from jax.experimental.pallas import tpu as pltpu
from jax.experimental.pallas import tpu_sc as plsc

_NC = 2
_NS = 16
_NW = _NC * _NS

_XR = 4096
_XC = 16
_B = _XR * _XC
_D = 768
_BPW = _B // _NW
_GPW = _BPW // _XC


@functools.partial(
    pl.kernel,
    out_type=jax.ShapeDtypeStruct((_B, _D), jnp.float32),
    mesh=plsc.VectorSubcoreMesh(core_axis_name="c", subcore_axis_name="s"),
    scratch_types=[
        pltpu.VMEM((_GPW, _XC), jnp.int32),
        pltpu.VMEM((16, _D), jnp.float32),
        pltpu.SemaphoreType.DMA,
        pltpu.SemaphoreType.DMA,
    ],
)
def _gather_rows(x_hbm, table_hbm, out_hbm, idx_v, table_v, sem, ssem):
    wid = lax.axis_index("s") * _NC + lax.axis_index("c")
    base = wid * _BPW
    tcopy = pltpu.async_copy(table_hbm, table_v, ssem)
    icopy = pltpu.async_copy(x_hbm.at[pl.ds(wid * _GPW, _GPW)], idx_v, ssem)
    tcopy.wait()
    icopy.wait()

    def group(g, _):
        vidx = idx_v[g]
        for r in range(_XC):
            i = vidx[r]
            pltpu.async_copy(table_v.at[i], out_hbm.at[base + g * _XC + r], sem)
        return ()

    lax.fori_loop(0, _GPW, group, ())

    def drain(g, _):
        pltpu.make_async_copy(
            table_v, out_hbm.at[pl.ds(base + g * 16, 16)], sem
        ).wait()
        return ()

    lax.fori_loop(0, _GPW, drain, ())


def kernel(x, table):
    out = _gather_rows(x.astype(jnp.int32), table)
    return out.reshape(x.shape + (table.shape[1],))

# --- scband reference (transcript-rebuilt; emitter-appended) ---
"""Pipeline reference for scband-positional-encoding-58531814310381 (READ-ONLY COPY).

The authoritative reference and input builder live on the scoring server;
editing this copy changes nothing except your own understanding.
"""

import jax, jax.numpy as jnp
import numpy as np


def setup_inputs(seed: int = 0) -> dict:
    key = jax.random.key(seed)
    k1, k2 = jax.random.split(key)
    x = jax.random.randint(k1, (4096, 16), 0, 16, dtype=jnp.int64)
    table = jax.random.normal(k2, (16, 768), dtype=jnp.float32)
    return {"x": x, "table": table}


def reference(x, table):
    # nn.Embedding lookup: table[x]
    return jnp.take(table, x, axis=0)

if __name__ == "__main__":
    import jax
    _d = setup_inputs()
    print(jax.jit(kernel)(*tuple(_d.values())))

</pallas_src>

<mosaic_0001>
#map = affine_map<(d0, d1) -> (0, 0)>
module attributes {stable_mosaic.version = 14 : i64} {
  func.func @_gather_rows(%arg0: i32, %arg1: i32, %arg2: memref<4096x16xi32, #tpu.memory_space<hbm>>, %arg3: memref<16x768xf32, #tpu.memory_space<hbm>>, %arg4: memref<65536x768xf32, #tpu.memory_space<hbm>>, %arg5: memref<128x16xi32, #tpu.memory_space<vmem>>, %arg6: memref<16x768xf32, #tpu.memory_space<vmem>>, %arg7: memref<!tpu.dma_semaphore, #tpu.memory_space<semaphore_mem>>, %arg8: memref<!tpu.dma_semaphore, #tpu.memory_space<semaphore_mem>>) attributes {dimension_semantics = [#tpu.dimension_semantics<core_parallel>, #tpu.dimension_semantics<subcore_parallel>], iteration_bounds = array<i64: 2, 16>, scalar_prefetch = 0 : i64, scratch_operands = 4 : i64, tpu.core_type = #tpu.core_type<sc_vector_subcore>, window_params = [{transform_indices = #map}, {transform_indices = #map}, {transform_indices = #map}]} {
    %mul3A = arith.constant 2 : i32
    %mul3A_0 = arith.muli %arg1, %mul3A : i32
    %add3A = arith.addi %mul3A_0, %arg0 : i32
    %mul3A_1 = arith.constant 2048 : i32
    %mul3A_2 = arith.muli %add3A, %mul3A_1 : i32
    tpu.enqueue_dma source(%arg3 : memref<16x768xf32, #tpu.memory_space<hbm>>) target(%arg6 : memref<16x768xf32, #tpu.memory_space<vmem>>) target_semaphore(%arg8 : memref<!tpu.dma_semaphore, #tpu.memory_space<semaphore_mem>>)
    %mul3A_3 = arith.constant 128 : i32
    %mul3A_4 = arith.muli %add3A, %mul3A_3 : i32
    %dma_start3A = arith.constant 0 : i32
    %dma_start3A_5 = tpu.memref_slice %arg2[%mul3A_4, %dma_start3A] : memref<4096x16xi32, #tpu.memory_space<hbm>> -> memref<128x16xi32, #tpu.memory_space<hbm>>
    %dma_start3A_6 = arith.constant 0 : i32
    %dma_start3A_7 = tpu.memref_slice %arg2[%mul3A_4, %dma_start3A_6] : memref<4096x16xi32, #tpu.memory_space<hbm>> -> memref<128x16xi32, #tpu.memory_space<hbm>>
    tpu.enqueue_dma source(%dma_start3A_7 : memref<128x16xi32, #tpu.memory_space<hbm>>) target(%arg5 : memref<128x16xi32, #tpu.memory_space<vmem>>) target_semaphore(%arg8 : memref<!tpu.dma_semaphore, #tpu.memory_space<semaphore_mem>>)
    tpu.wait_dma2 semaphore(%arg8 : memref<!tpu.dma_semaphore, #tpu.memory_space<semaphore_mem>>) src(%arg3 : memref<16x768xf32, #tpu.memory_space<hbm>>) dst(%arg6 : memref<16x768xf32, #tpu.memory_space<vmem>>)
    %dma_wait3A = arith.constant 0 : i32
    %dma_wait3A_8 = tpu.memref_slice %arg2[%mul3A_4, %dma_wait3A] : memref<4096x16xi32, #tpu.memory_space<hbm>> -> memref<128x16xi32, #tpu.memory_space<hbm>>
    %dma_wait3A_9 = arith.constant 0 : i32
    %dma_wait3A_10 = tpu.memref_slice %arg2[%mul3A_4, %dma_wait3A_9] : memref<4096x16xi32, #tpu.memory_space<hbm>> -> memref<128x16xi32, #tpu.memory_space<hbm>>
    tpu.wait_dma2 semaphore(%arg8 : memref<!tpu.dma_semaphore, #tpu.memory_space<semaphore_mem>>) src(%dma_wait3A_10 : memref<128x16xi32, #tpu.memory_space<hbm>>) dst(%arg5 : memref<128x16xi32, #tpu.memory_space<vmem>>)
    %scan3A = arith.constant 0 : i32
    %scan3A_11 = arith.constant 128 : i32
    %scan3A_12 = arith.addi %scan3A, %scan3A_11 : i32
    %scan3A_13 = arith.constant 1 : i32
    scf.for %scan3A_20 = %scan3A to %scan3A_12 step %scan3A_13  : i32 {
      %get3A = arith.index_cast %scan3A_20 : i32 to index
      %get3A_21 = arith.constant 0 : index
      %get3A_22 = tpu.vector_load %arg5[%get3A, %get3A_21] {strides = array<i32>} : memref<128x16xi32, #tpu.memory_space<vmem>>, vector<1x16xi32>,
      %get3A_23 = vector.shape_cast %get3A_22 : vector<1x16xi32> to vector<16xi32>
      %slice3A = vector.extract_strided_slice %get3A_23 {offsets = [0], sizes = [1], strides = [1]} : vector<16xi32> to vector<1xi32>
      %squeeze3A = vector.extract %slice3A[0] : i32 from vector<1xi32>
      %mul3A_24 = arith.constant 16 : i32
      %mul3A_25 = arith.muli %scan3A_20, %mul3A_24 : i32
      %add3A_26 = arith.addi %mul3A_2, %mul3A_25 : i32
      %add3A_27 = arith.constant 0 : i32
      %add3A_28 = arith.addi %add3A_26, %add3A_27 : i32
      %dma_start3A_29 = arith.constant 0 : i32
      %dma_start3A_30 = tpu.memref_slice %arg6[%squeeze3A, %dma_start3A_29] : memref<16x768xf32, #tpu.memory_space<vmem>> -> memref<1x768xf32, #tpu.memory_space<vmem>>
      %dma_start3A_31 = tpu.memref_squeeze %dma_start3A_30 : memref<1x768xf32, #tpu.memory_space<vmem>> -> memref<768xf32, #tpu.memory_space<vmem>>
      %dma_start3A_32 = arith.constant 0 : i32
      %dma_start3A_33 = tpu.memref_slice %arg4[%add3A_28, %dma_start3A_32] : memref<65536x768xf32, #tpu.memory_space<hbm>> -> memref<1x768xf32, #tpu.memory_space<hbm>>
      %dma_start3A_34 = tpu.memref_squeeze %dma_start3A_33 : memref<1x768xf32, #tpu.memory_space<hbm>> -> memref<768xf32, #tpu.memory_space<hbm>>
      %dma_start3A_35 = arith.constant 0 : i32
      %dma_start3A_36 = tpu.memref_slice %arg4[%add3A_28, %dma_start3A_35] : memref<65536x768xf32, #tpu.memory_space<hbm>> -> memref<1x768xf32, #tpu.memory_space<hbm>>
      %dma_start3A_37 = tpu.memref_squeeze %dma_start3A_36 : memref<1x768xf32, #tpu.memory_space<hbm>> -> memref<768xf32, #tpu.memory_space<hbm>>
      %dma_start3A_38 = arith.constant 0 : i32
      %dma_start3A_39 = tpu.memref_slice %arg6[%squeeze3A, %dma_start3A_38] : memref<16x768xf32, #tpu.memory_space<vmem>> -> memref<1x768xf32, #tpu.memory_space<vmem>>
      %dma_start3A_40 = tpu.memref_squeeze %dma_start3A_39 : memref<1x768xf32, #tpu.memory_space<vmem>> -> memref<768xf32, #tpu.memory_space<vmem>>
      tpu.enqueue_dma source(%dma_start3A_40 : memref<768xf32, #tpu.memory_space<vmem>>) target(%dma_start3A_37 : memref<768xf32, #tpu.memory_space<hbm>>) target_semaphore(%arg7 : memref<!tpu.dma_semaphore, #tpu.memory_space<semaphore_mem>>)
      %slice3A_41 = vector.extract_strided_slice %get3A_23 {offsets = [1], sizes = [1], strides = [1]} : vector<16xi32> to vector<1xi32>
      %squeeze3A_42 = vector.extract %slice3A_41[0] : i32 from vector<1xi32>
      %mul3A_43 = arith.constant 16 : i32
      %mul3A_44 = arith.muli %scan3A_20, %mul3A_43 : i32
      %add3A_45 = arith.addi %mul3A_2, %mul3A_44 : i32
      %add3A_46 = arith.constant 1 : i32
      %add3A_47 = arith.addi %add3A_45, %add3A_46 : i32
      %dma_start3A_48 = arith.constant 0 : i32
      %dma_start3A_49 = tpu.memref_slice %arg6[%squeeze3A_42, %dma_start3A_48] : memref<16x768xf32, #tpu.memory_space<vmem>> -> memref<1x768xf32, #tpu.memory_space<vmem>>
      %dma_start3A_50 = tpu.memref_squeeze %dma_start3A_49 : memref<1x768xf32, #tpu.memory_space<vmem>> -> memref<768xf32, #tpu.memory_space<vmem>>
      %dma_start3A_51 = arith.constant 0 : i32
      %dma_start3A_52 = tpu.memref_slice %arg4[%add3A_47, %dma_start3A_51] : memref<65536x768xf32, #tpu.memory_space<hbm>> -> memref<1x768xf32, #tpu.memory_space<hbm>>
      %dma_start3A_53 = tpu.memref_squeeze %dma_start3A_52 : memref<1x768xf32, #tpu.memory_space<hbm>> -> memref<768xf32, #tpu.memory_space<hbm>>
      %dma_start3A_54 = arith.constant 0 : i32
      %dma_start3A_55 = tpu.memref_slice %arg4[%add3A_47, %dma_start3A_54] : memref<65536x768xf32, #tpu.memory_space<hbm>> -> memref<1x768xf32, #tpu.memory_space<hbm>>
      %dma_start3A_56 = tpu.memref_squeeze %dma_start3A_55 : memref<1x768xf32, #tpu.memory_space<hbm>> -> memref<768xf32, #tpu.memory_space<hbm>>
      %dma_start3A_57 = arith.constant 0 : i32
      %dma_start3A_58 = tpu.memref_slice %arg6[%squeeze3A_42, %dma_start3A_57] : memref<16x768xf32, #tpu.memory_space<vmem>> -> memref<1x768xf32, #tpu.memory_space<vmem>>
      %dma_start3A_59 = tpu.memref_squeeze %dma_start3A_58 : memref<1x768xf32, #tpu.memory_space<vmem>> -> memref<768xf32, #tpu.memory_space<vmem>>
      tpu.enqueue_dma source(%dma_start3A_59 : memref<768xf32, #tpu.memory_space<vmem>>) target(%dma_start3A_56 : memref<768xf32, #tpu.memory_space<hbm>>) target_semaphore(%arg7 : memref<!tpu.dma_semaphore, #tpu.memory_space<semaphore_mem>>)
      %slice3A_60 = vector.extract_strided_slice %get3A_23 {offsets = [2], sizes = [1], strides = [1]} : vector<16xi32> to vector<1xi32>
      %squeeze3A_61 = vector.extract %slice3A_60[0] : i32 from vector<1xi32>
      %mul3A_62 = arith.constant 16 : i32
      %mul3A_63 = arith.muli %scan3A_20, %mul3A_62 : i32
      %add3A_64 = arith.addi %mul3A_2, %mul3A_63 : i32
      %add3A_65 = arith.constant 2 : i32
      %add3A_66 = arith.addi %add3A_64, %add3A_65 : i32
      %dma_start3A_67 = arith.constant 0 : i32
      %dma_start3A_68 = tpu.memref_slice %arg6[%squeeze3A_61, %dma_start3A_67] : memref<16x768xf32, #tpu.memory_space<vmem>> -> memref<1x768xf32, #tpu.memory_space<vmem>>
      %dma_start3A_69 = tpu.memref_squeeze %dma_start3A_68 : memref<1x768xf32, #tpu.memory_space<vmem>> -> memref<768xf32, #tpu.memory_space<vmem>>
      %dma_start3A_70 = arith.constant 0 : i32
      %dma_start3A_71 = tpu.memref_slice %arg4[%add3A_66, %dma_start3A_70] : memref<65536x768xf32, #tpu.memory_space<hbm>> -> memref<1x768xf32, #tpu.memory_space<hbm>>
      %dma_start3A_72 = tpu.memref_squeeze %dma_start3A_71 : memref<1x768xf32, #tpu.memory_space<hbm>> -> memref<768xf32, #tpu.memory_space<hbm>>
      %dma_start3A_73 = arith.constant 0 : i32
      %dma_start3A_74 = tpu.memref_slice %arg4[%add3A_66, %dma_start3A_73] : memref<65536x768xf32, #tpu.memory_space<hbm>> -> memref<1x768xf32, #tpu.memory_space<hbm>>
      %dma_start3A_75 = tpu.memref_squeeze %dma_start3A_74 : memref<1x768xf32, #tpu.memory_space<hbm>> -> memref<768xf32, #tpu.memory_space<hbm>>
      %dma_start3A_76 = arith.constant 0 : i32
      %dma_start3A_77 = tpu.memref_slice %arg6[%squeeze3A_61, %dma_start3A_76] : memref<16x768xf32, #tpu.memory_space<vmem>> -> memref<1x768xf32, #tpu.memory_space<vmem>>
      %dma_start3A_78 = tpu.memref_squeeze %dma_start3A_77 : memref<1x768xf32, #tpu.memory_space<vmem>> -> memref<768xf32, #tpu.memory_space<vmem>>
      tpu.enqueue_dma source(%dma_start3A_78 : memref<768xf32, #tpu.memory_space<vmem>>) target(%dma_start3A_75 : memref<768xf32, #tpu.memory_space<hbm>>) target_semaphore(%arg7 : memref<!tpu.dma_semaphore, #tpu.memory_space<semaphore_mem>>)
      %slice3A_79 = vector.extract_strided_slice %get3A_23 {offsets = [3], sizes = [1], strides = [1]} : vector<16xi32> to vector<1xi32>
      %squeeze3A_80 = vector.extract %slice3A_79[0] : i32 from vector<1xi32>
      %mul3A_81 = arith.constant 16 : i32
      %mul3A_82 = arith.muli %scan3A_20, %mul3A_81 : i32
      %add3A_83 = arith.addi %mul3A_2, %mul3A_82 : i32
      %add3A_84 = arith.constant 3 : i32
      %add3A_85 = arith.addi %add3A_83, %add3A_84 : i32
      %dma_start3A_86 = arith.constant 0 : i32
      %dma_start3A_87 = tpu.memref_slice %arg6[%squeeze3A_80, %dma_start3A_86] : memref<16x768xf32, #tpu.memory_space<vmem>> -> memref<1x768xf32, #tpu.memory_space<vmem>>
      %dma_start3A_88 = tpu.memref_squeeze %dma_start3A_87 : memref<1x768xf32, #tpu.memory_space<vmem>> -> memref<768xf32, #tpu.memory_space<vmem>>
      %dma_start3A_89 = arith.constant 0 : i32
      %dma_start3A_90 = tpu.memref_slice %arg4[%add3A_85, %dma_start3A_89] : memref<65536x768xf32, #tpu.memory_space<hbm>> -> memref<1x768xf32, #tpu.memory_space<hbm>>
      %dma_start3A_91 = tpu.memref_squeeze %dma_start3A_90 : memref<1x768xf32, #tpu.memory_space<hbm>> -> memref<768xf32, #tpu.memory_space<hbm>>
      %dma_start3A_92 = arith.constant 0 : i32
      %dma_start3A_93 = tpu.memref_slice %arg4[%add3A_85, %dma_start3A_92] : memref<65536x768xf32, #tpu.memory_space<hbm>> -> memref<1x768xf32, #tpu.memory_space<hbm>>
      %dma_start3A_94 = tpu.memref_squeeze %dma_start3A_93 : memref<1x768xf32, #tpu.memory_space<hbm>> -> memref<768xf32, #tpu.memory_space<hbm>>
      %dma_start3A_95 = arith.constant 0 : i32
      %dma_start3A_96 = tpu.memref_slice %arg6[%squeeze3A_80, %dma_start3A_95] : memref<16x768xf32, #tpu.memory_space<vmem>> -> memref<1x768xf32, #tpu.memory_space<vmem>>
      %dma_start3A_97 = tpu.memref_squeeze %dma_start3A_96 : memref<1x768xf32, #tpu.memory_space<vmem>> -> memref<768xf32, #tpu.memory_space<vmem>>
      tpu.enqueue_dma source(%dma_start3A_97 : memref<768xf32, #tpu.memory_space<vmem>>) target(%dma_start3A_94 : memref<768xf32, #tpu.memory_space<hbm>>) target_semaphore(%arg7 : memref<!tpu.dma_semaphore, #tpu.memory_space<semaphore_mem>>)
      %slice3A_98 = vector.extract_strided_slice %get3A_23 {offsets = [4], sizes = [1], strides = [1]} : vector<16xi32> to vector<1xi32>
      %squeeze3A_99 = vector.extract %slice3A_98[0] : i32 from vector<1xi32>
      %mul3A_100 = arith.constant 16 : i32
      %mul3A_101 = arith.muli %scan3A_20, %mul3A_100 : i32
      %add3A_102 = arith.addi %mul3A_2, %mul3A_101 : i32
      %add3A_103 = arith.constant 4 : i32
      %add3A_104 = arith.addi %add3A_102, %add3A_103 : i32
      %dma_start3A_105 = arith.constant 0 : i32
      %dma_start3A_106 = tpu.memref_slice %arg6[%squeeze3A_99, %dma_start3A_105] : memref<16x768xf32, #tpu.memory_space<vmem>> -> memref<1x768xf32, #tpu.memory_space<vmem>>
      %dma_start3A_107 = tpu.memref_squeeze %dma_start3A_106 : memref<1x768xf32, #tpu.memory_space<vmem>> -> memref<768xf32, #tpu.memory_space<vmem>>
      %dma_start3A_108 = arith.constant 0 : i32
      %dma_start3A_109 = tpu.memref_slice %arg4[%add3A_104, %dma_start3A_108] : memref<65536x768xf32, #tpu.memory_space<hbm>> -> memref<1x768xf32, #tpu.memory_space<hbm>>
      %dma_start3A_110 = tpu.memref_squeeze %dma_start3A_109 : memref<1x768xf32, #tpu.memory_space<hbm>> -> memref<768xf32, #tpu.memory_space<hbm>>
      %dma_start3A_111 = arith.constant 0 : i32
      %dma_start3A_112 = tpu.memref_slice %arg4[%add3A_104, %dma_start3A_111] : memref<65536x768xf32, #tpu.memory_space<hbm>> -> memref<1x768xf32, #tpu.memory_space<hbm>>
      %dma_start3A_113 = tpu.memref_squeeze %dma_start3A_112 : memref<1x768xf32, #tpu.memory_space<hbm>> -> memref<768xf32, #tpu.memory_space<hbm>>
      %dma_start3A_114 = arith.constant 0 : i32
      %dma_start3A_115 = tpu.memref_slice %arg6[%squeeze3A_99, %dma_start3A_114] : memref<16x768xf32, #tpu.memory_space<vmem>> -> memref<1x768xf32, #tpu.memory_space<vmem>>
      %dma_start3A_116 = tpu.memref_squeeze %dma_start3A_115 : memref<1x768xf32, #tpu.memory_space<vmem>> -> memref<768xf32, #tpu.memory_space<vmem>>
      tpu.enqueue_dma source(%dma_start3A_116 : memref<768xf32, #tpu.memory_space<vmem>>) target(%dma_start3A_113 : memref<768xf32, #tpu.memory_space<hbm>>) target_semaphore(%arg7 : memref<!tpu.dma_semaphore, #tpu.memory_space<semaphore_mem>>)
      %slice3A_117 = vector.extract_strided_slice %get3A_23 {offsets = [5], sizes = [1], strides = [1]} : vector<16xi32> to vector<1xi32>
      %squeeze3A_118 = vector.extract %slice3A_117[0] : i32 from vector<1xi32>
      %mul3A_119 = arith.constant 16 : i32
      %mul3A_120 = arith.muli %scan3A_20, %mul3A_119 : i32
      %add3A_121 = arith.addi %mul3A_2, %mul3A_120 : i32
      %add3A_122 = arith.constant 5 : i32
      %add3A_123 = arith.addi %add3A_121, %add3A_122 : i32
      %dma_start3A_124 = arith.constant 0 : i32
      %dma_start3A_125 = tpu.memref_slice %arg6[%squeeze3A_118, %dma_start3A_124] : memref<16x768xf32, #tpu.memory_space<vmem>> -> memref<1x768xf32, #tpu.memory_space<vmem>>
      %dma_start3A_126 = tpu.memref_squeeze %dma_start3A_125 : memref<1x768xf32, #tpu.memory_space<vmem>> -> memref<768xf32, #tpu.memory_space<vmem>>
      %dma_start3A_127 = arith.constant 0 : i32
      %dma_start3A_128 = tpu.memref_slice %arg4[%add3A_123, %dma_start3A_127] : memref<65536x768xf32, #tpu.memory_space<hbm>> -> memref<1x768xf32, #tpu.memory_space<hbm>>
      %dma_start3A_129 = tpu.memref_squeeze %dma_start3A_128 : memref<1x768xf32, #tpu.memory_space<hbm>> -> memref<768xf32, #tpu.memory_space<hbm>>
      %dma_start3A_130 = arith.constant 0 : i32
      %dma_start3A_131 = tpu.memref_slice %arg4[%add3A_123, %dma_start3A_130] : memref<65536x768xf32, #tpu.memory_space<hbm>> -> memref<1x768xf32, #tpu.memory_space<hbm>>
      %dma_start3A_132 = tpu.memref_squeeze %dma_start3A_131 : memref<1x768xf32, #tpu.memory_space<hbm>> -> memref<768xf32, #tpu.memory_space<hbm>>
      %dma_start3A_133 = arith.constant 0 : i32
      %dma_start3A_134 = tpu.memref_slice %arg6[%squeeze3A_118, %dma_start3A_133] : memref<16x768xf32, #tpu.memory_space<vmem>> -> memref<1x768xf32, #tpu.memory_space<vmem>>
      %dma_start3A_135 = tpu.memref_squeeze %dma_start3A_134 : memref<1x768xf32, #tpu.memory_space<vmem>> -> memref<768xf32, #tpu.memory_space<vmem>>
      tpu.enqueue_dma source(%dma_start3A_135 : memref<768xf32, #tpu.memory_space<vmem>>) target(%dma_start3A_132 : memref<768xf32, #tpu.memory_space<hbm>>) target_semaphore(%arg7 : memref<!tpu.dma_semaphore, #tpu.memory_space<semaphore_mem>>)
      %slice3A_136 = vector.extract_strided_slice %get3A_23 {offsets = [6], sizes = [1], strides = [1]} : vector<16xi32> to vector<1xi32>
      %squeeze3A_137 = vector.extract %slice3A_136[0] : i32 from vector<1xi32>
      %mul3A_138 = arith.constant 16 : i32
      %mul3A_139 = arith.muli %scan3A_20, %mul3A_138 : i32
      %add3A_140 = arith.addi %mul3A_2, %mul3A_139 : i32
      %add3A_141 = arith.constant 6 : i32
      %add3A_142 = arith.addi %add3A_140, %add3A_141 : i32
      %dma_start3A_143 = arith.constant 0 : i32
      %dma_start3A_144 = tpu.memref_slice %arg6[%squeeze3A_137, %dma_start3A_143] : memref<16x768xf32, #tpu.memory_space<vmem>> -> memref<1x768xf32, #tpu.memory_space<vmem>>
      %dma_start3A_145 = tpu.memref_squeeze %dma_start3A_144 : memref<1x768xf32, #tpu.memory_space<vmem>> -> memref<768xf32, #tpu.memory_space<vmem>>
      %dma_start3A_146 = arith.constant 0 : i32
      %dma_start3A_147 = tpu.memref_slice %arg4[%add3A_142, %dma_start3A_146] : memref<65536x768xf32, #tpu.memory_space<hbm>> -> memref<1x768xf32, #tpu.memory_space<hbm>>
      %dma_start3A_148 = tpu.memref_squeeze %dma_start3A_147 : memref<1x768xf32, #tpu.memory_space<hbm>> -> memref<768xf32, #tpu.memory_space<hbm>>
      %dma_start3A_149 = arith.constant 0 : i32
      %dma_start3A_150 = tpu.memref_slice %arg4[%add3A_142, %dma_start3A_149] : memref<65536x768xf32, #tpu.memory_space<hbm>> -> memref<1x768xf32, #tpu.memory_space<hbm>>
      %dma_start3A_151 = tpu.memref_squeeze %dma_start3A_150 : memref<1x768xf32, #tpu.memory_space<hbm>> -> memref<768xf32, #tpu.memory_space<hbm>>
      %dma_start3A_152 = arith.constant 0 : i32
      %dma_start3A_153 = tpu.memref_slice %arg6[%squeeze3A_137, %dma_start3A_152] : memref<16x768xf32, #tpu.memory_space<vmem>> -> memref<1x768xf32, #tpu.memory_space<vmem>>
      %dma_start3A_154 = tpu.memref_squeeze %dma_start3A_153 : memref<1x768xf32, #tpu.memory_space<vmem>> -> memref<768xf32, #tpu.memory_space<vmem>>
      tpu.enqueue_dma source(%dma_start3A_154 : memref<768xf32, #tpu.memory_space<vmem>>) target(%dma_start3A_151 : memref<768xf32, #tpu.memory_space<hbm>>) target_semaphore(%arg7 : memref<!tpu.dma_semaphore, #tpu.memory_space<semaphore_mem>>)
      %slice3A_155 = vector.extract_strided_slice %get3A_23 {offsets = [7], sizes = [1], strides = [1]} : vector<16xi32> to vector<1xi32>
      %squeeze3A_156 = vector.extract %slice3A_155[0] : i32 from vector<1xi32>
      %mul3A_157 = arith.constant 16 : i32
      %mul3A_158 = arith.muli %scan3A_20, %mul3A_157 : i32
      %add3A_159 = arith.addi %mul3A_2, %mul3A_158 : i32
      %add3A_160 = arith.constant 7 : i32
      %add3A_161 = arith.addi %add3A_159, %add3A_160 : i32
      %dma_start3A_162 = arith.constant 0 : i32
      %dma_start3A_163 = tpu.memref_slice %arg6[%squeeze3A_156, %dma_start3A_162] : memref<16x768xf32, #tpu.memory_space<vmem>> -> memref<1x768xf32, #tpu.memory_space<vmem>>
      %dma_start3A_164 = tpu.memref_squeeze %dma_start3A_163 : memref<1x768xf32, #tpu.memory_space<vmem>> -> memref<768xf32, #tpu.memory_space<vmem>>
      %dma_start3A_165 = arith.constant 0 : i32
      %dma_start3A_166 = tpu.memref_slice %arg4[%add3A_161, %dma_start3A_165] : memref<65536x768xf32, #tpu.memory_space<hbm>> -> memref<1x768xf32, #tpu.memory_space<hbm>>
      %dma_start3A_167 = tpu.memref_squeeze %dma_start3A_166 : memref<1x768xf32, #tpu.memory_space<hbm>> -> memref<768xf32, #tpu.memory_space<hbm>>
      %dma_start3A_168 = arith.constant 0 : i32
      %dma_start3A_169 = tpu.memref_slice %arg4[%add3A_161, %dma_start3A_168] : memref<65536x768xf32, #tpu.memory_space<hbm>> -> memref<1x768xf32, #tpu.memory_space<hbm>>
      %dma_start3A_170 = tpu.memref_squeeze %dma_start3A_169 : memref<1x768xf32, #tpu.memory_space<hbm>> -> memref<768xf32, #tpu.memory_space<hbm>>
      %dma_start3A_171 = arith.constant 0 : i32
      %dma_start3A_172 = tpu.memref_slice %arg6[%squeeze3A_156, %dma_start3A_171] : memref<16x768xf32, #tpu.memory_space<vmem>> -> memref<1x768xf32, #tpu.memory_space<vmem>>
      %dma_start3A_173 = tpu.memref_squeeze %dma_start3A_172 : memref<1x768xf32, #tpu.memory_space<vmem>> -> memref<768xf32, #tpu.memory_space<vmem>>
      tpu.enqueue_dma source(%dma_start3A_173 : memref<768xf32, #tpu.memory_space<vmem>>) target(%dma_start3A_170 : memref<768xf32, #tpu.memory_space<hbm>>) target_semaphore(%arg7 : memref<!tpu.dma_semaphore, #tpu.memory_space<semaphore_mem>>)
      %slice3A_174 = vector.extract_strided_slice %get3A_23 {offsets = [8], sizes = [1], strides = [1]} : vector<16xi32> to vector<1xi32>
      %squeeze3A_175 = vector.extract %slice3A_174[0] : i32 from vector<1xi32>
      %mul3A_176 = arith.constant 16 : i32
      %mul3A_177 = arith.muli %scan3A_20, %mul3A_176 : i32
      %add3A_178 = arith.addi %mul3A_2, %mul3A_177 : i32
      %add3A_179 = arith.constant 8 : i32
      %add3A_180 = arith.addi %add3A_178, %add3A_179 : i32
      %dma_start3A_181 = arith.constant 0 : i32
      %dma_start3A_182 = tpu.memref_slice %arg6[%squeeze3A_175, %dma_start3A_181] : memref<16x768xf32, #tpu.memory_space<vmem>> -> memref<1x768xf32, #tpu.memory_space<vmem>>
      %dma_start3A_183 = tpu.memref_squeeze %dma_start3A_182 : memref<1x768xf32, #tpu.memory_space<vmem>> -> memref<768xf32, #tpu.memory_space<vmem>>
      %dma_start3A_184 = arith.constant 0 : i32
      %dma_start3A_185 = tpu.memref_slice %arg4[%add3A_180, %dma_start3A_184] : memref<65536x768xf32, #tpu.memory_space<hbm>> -> memref<1x768xf32, #tpu.memory_space<hbm>>
      %dma_start3A_186 = tpu.memref_squeeze %dma_start3A_185 : memref<1x768xf32, #tpu.memory_space<hbm>> -> memref<768xf32, #tpu.memory_space<hbm>>
      %dma_start3A_187 = arith.constant 0 : i32
      %dma_start3A_188 = tpu.memref_slice %arg4[%add3A_180, %dma_start3A_187] : memref<65536x768xf32, #tpu.memory_space<hbm>> -> memref<1x768xf32, #tpu.memory_space<hbm>>
      %dma_start3A_189 = tpu.memref_squeeze %dma_start3A_188 : memref<1x768xf32, #tpu.memory_space<hbm>> -> memref<768xf32, #tpu.memory_space<hbm>>
      %dma_start3A_190 = arith.constant 0 : i32
      %dma_start3A_191 = tpu.memref_slice %arg6[%squeeze3A_175, %dma_start3A_190] : memref<16x768xf32, #tpu.memory_space<vmem>> -> memref<1x768xf32, #tpu.memory_space<vmem>>
      %dma_start3A_192 = tpu.memref_squeeze %dma_start3A_191 : memref<1x768xf32, #tpu.memory_space<vmem>> -> memref<768xf32, #tpu.memory_space<vmem>>
      tpu.enqueue_dma source(%dma_start3A_192 : memref<768xf32, #tpu.memory_space<vmem>>) target(%dma_start3A_189 : memref<768xf32, #tpu.memory_space<hbm>>) target_semaphore(%arg7 : memref<!tpu.dma_semaphore, #tpu.memory_space<semaphore_mem>>)
      %slice3A_193 = vector.extract_strided_slice %get3A_23 {offsets = [9], sizes = [1], strides = [1]} : vector<16xi32> to vector<1xi32>
      %squeeze3A_194 = vector.extract %slice3A_193[0] : i32 from vector<1xi32>
      %mul3A_195 = arith.constant 16 : i32
      %mul3A_196 = arith.muli %scan3A_20, %mul3A_195 : i32
      %add3A_197 = arith.addi %mul3A_2, %mul3A_196 : i32
      %add3A_198 = arith.constant 9 : i32
      %add3A_199 = arith.addi %add3A_197, %add3A_198 : i32
      %dma_start3A_200 = arith.constant 0 : i32
      %dma_start3A_201 = tpu.memref_slice %arg6[%squeeze3A_194, %dma_start3A_200] : memref<16x768xf32, #tpu.memory_space<vmem>> -> memref<1x768xf32, #tpu.memory_space<vmem>>
      %dma_start3A_202 = tpu.memref_squeeze %dma_start3A_201 : memref<1x768xf32, #tpu.memory_space<vmem>> -> memref<768xf32, #tpu.memory_space<vmem>>
      %dma_start3A_203 = arith.constant 0 : i32
      %dma_start3A_204 = tpu.memref_slice %arg4[%add3A_199, %dma_start3A_203] : memref<65536x768xf32, #tpu.memory_space<hbm>> -> memref<1x768xf32, #tpu.memory_space<hbm>>
      %dma_start3A_205 = tpu.memref_squeeze %dma_start3A_204 : memref<1x768xf32, #tpu.memory_space<hbm>> -> memref<768xf32, #tpu.memory_space<hbm>>
      %dma_start3A_206 = arith.constant 0 : i32
      %dma_start3A_207 = tpu.memref_slice %arg4[%add3A_199, %dma_start3A_206] : memref<65536x768xf32, #tpu.memory_space<hbm>> -> memref<1x768xf32, #tpu.memory_space<hbm>>
      %dma_start3A_208 = tpu.memref_squeeze %dma_start3A_207 : memref<1x768xf32, #tpu.memory_space<hbm>> -> memref<768xf32, #tpu.memory_space<hbm>>
      %dma_start3A_209 = arith.constant 0 : i32
      %dma_start3A_210 = tpu.memref_slice %arg6[%squeeze3A_194, %dma_start3A_209] : memref<16x768xf32, #tpu.memory_space<vmem>> -> memref<1x768xf32, #tpu.memory_space<vmem>>
      %dma_start3A_211 = tpu.memref_squeeze %dma_start3A_210 : memref<1x768xf32, #tpu.memory_space<vmem>> -> memref<768xf32, #tpu.memory_space<vmem>>
      tpu.enqueue_dma source(%dma_start3A_211 : memref<768xf32, #tpu.memory_space<vmem>>) target(%dma_start3A_208 : memref<768xf32, #tpu.memory_space<hbm>>) target_semaphore(%arg7 : memref<!tpu.dma_semaphore, #tpu.memory_space<semaphore_mem>>)
      %slice3A_212 = vector.extract_strided_slice %get3A_23 {offsets = [10], sizes = [1], strides = [1]} : vector<16xi32> to vector<1xi32>
      %squeeze3A_213 = vector.extract %slice3A_212[0] : i32 from vector<1xi32>
      %mul3A_214 = arith.constant 16 : i32
      %mul3A_215 = arith.muli %scan3A_20, %mul3A_214 : i32
      %add3A_216 = arith.addi %mul3A_2, %mul3A_215 : i32
      %add3A_217 = arith.constant 10 : i32
      %add3A_218 = arith.addi %add3A_216, %add3A_217 : i32
      %dma_start3A_219 = arith.constant 0 : i32
      %dma_start3A_220 = tpu.memref_slice %arg6[%squeeze3A_213, %dma_start3A_219] : memref<16x768xf32, #tpu.memory_space<vmem>> -> memref<1x768xf32, #tpu.memory_space<vmem>>
      %dma_start3A_221 = tpu.memref_squeeze %dma_start3A_220 : memref<1x768xf32, #tpu.memory_space<vmem>> -> memref<768xf32, #tpu.memory_space<vmem>>
      %dma_start3A_222 = arith.constant 0 : i32
      %dma_start3A_223 = tpu.memref_slice %arg4[%add3A_218, %dma_start3A_222] : memref<65536x768xf32, #tpu.memory_space<hbm>> -> memref<1x768xf32, #tpu.memory_space<hbm>>
      %dma_start3A_224 = tpu.memref_squeeze %dma_start3A_223 : memref<1x768xf32, #tpu.memory_space<hbm>> -> memref<768xf32, #tpu.memory_space<hbm>>
      %dma_start3A_225 = arith.constant 0 : i32
      %dma_start3A_226 = tpu.memref_slice %arg4[%add3A_218, %dma_start3A_225] : memref<65536x768xf32, #tpu.memory_space<hbm>> -> memref<1x768xf32, #tpu.memory_space<hbm>>
      %dma_start3A_227 = tpu.memref_squeeze %dma_start3A_226 : memref<1x768xf32, #tpu.memory_space<hbm>> -> memref<768xf32, #tpu.memory_space<hbm>>
      %dma_start3A_228 = arith.constant 0 : i32
      %dma_start3A_229 = tpu.memref_slice %arg6[%squeeze3A_213, %dma_start3A_228] : memref<16x768xf32, #tpu.memory_space<vmem>> -> memref<1x768xf32, #tpu.memory_space<vmem>>
      %dma_start3A_230 = tpu.memref_squeeze %dma_start3A_229 : memref<1x768xf32, #tpu.memory_space<vmem>> -> memref<768xf32, #tpu.memory_space<vmem>>
      tpu.enqueue_dma source(%dma_start3A_230 : memref<768xf32, #tpu.memory_space<vmem>>) target(%dma_start3A_227 : memref<768xf32, #tpu.memory_space<hbm>>) target_semaphore(%arg7 : memref<!tpu.dma_semaphore, #tpu.memory_space<semaphore_mem>>)
      %slice3A_231 = vector.extract_strided_slice %get3A_23 {offsets = [11], sizes = [1], strides = [1]} : vector<16xi32> to vector<1xi32>
      %squeeze3A_232 = vector.extract %slice3A_231[0] : i32 from vector<1xi32>
      %mul3A_233 = arith.constant 16 : i32
      %mul3A_234 = arith.muli %scan3A_20, %mul3A_233 : i32
      %add3A_235 = arith.addi %mul3A_2, %mul3A_234 : i32
      %add3A_236 = arith.constant 11 : i32
      %add3A_237 = arith.addi %add3A_235, %add3A_236 : i32
      %dma_start3A_238 = arith.constant 0 : i32
      %dma_start3A_239 = tpu.memref_slice %arg6[%squeeze3A_232, %dma_start3A_238] : memref<16x768xf32, #tpu.memory_space<vmem>> -> memref<1x768xf32, #tpu.memory_space<vmem>>
      %dma_start3A_240 = tpu.memref_squeeze %dma_start3A_239 : memref<1x768xf32, #tpu.memory_space<vmem>> -> memref<768xf32, #tpu.memory_space<vmem>>
      %dma_start3A_241 = arith.constant 0 : i32
      %dma_start3A_242 = tpu.memref_slice %arg4[%add3A_237, %dma_start3A_241] : memref<65536x768xf32, #tpu.memory_space<hbm>> -> memref<1x768xf32, #tpu.memory_space<hbm>>
      %dma_start3A_243 = tpu.memref_squeeze %dma_start3A_242 : memref<1x768xf32, #tpu.memory_space<hbm>> -> memref<768xf32, #tpu.memory_space<hbm>>
      %dma_start3A_244 = arith.constant 0 : i32
      %dma_start3A_245 = tpu.memref_slice %arg4[%add3A_237, %dma_start3A_244] : memref<65536x768xf32, #tpu.memory_space<hbm>> -> memref<1x768xf32, #tpu.memory_space<hbm>>
      %dma_start3A_246 = tpu.memref_squeeze %dma_start3A_245 : memref<1x768xf32, #tpu.memory_space<hbm>> -> memref<768xf32, #tpu.memory_space<hbm>>
      %dma_start3A_247 = arith.constant 0 : i32
      %dma_start3A_248 = tpu.memref_slice %arg6[%squeeze3A_232, %dma_start3A_247] : memref<16x768xf32, #tpu.memory_space<vmem>> -> memref<1x768xf32, #tpu.memory_space<vmem>>
      %dma_start3A_249 = tpu.memref_squeeze %dma_start3A_248 : memref<1x768xf32, #tpu.memory_space<vmem>> -> memref<768xf32, #tpu.memory_space<vmem>>
      tpu.enqueue_dma source(%dma_start3A_249 : memref<768xf32, #tpu.memory_space<vmem>>) target(%dma_start3A_246 : memref<768xf32, #tpu.memory_space<hbm>>) target_semaphore(%arg7 : memref<!tpu.dma_semaphore, #tpu.memory_space<semaphore_mem>>)
      %slice3A_250 = vector.extract_strided_slice %get3A_23 {offsets = [12], sizes = [1], strides = [1]} : vector<16xi32> to vector<1xi32>
      %squeeze3A_251 = vector.extract %slice3A_250[0] : i32 from vector<1xi32>
      %mul3A_252 = arith.constant 16 : i32
      %mul3A_253 = arith.muli %scan3A_20, %mul3A_252 : i32
      %add3A_254 = arith.addi %mul3A_2, %mul3A_253 : i32
      %add3A_255 = arith.constant 12 : i32
      %add3A_256 = arith.addi %add3A_254, %add3A_255 : i32
      %dma_start3A_257 = arith.constant 0 : i32
      %dma_start3A_258 = tpu.memref_slice %arg6[%squeeze3A_251, %dma_start3A_257] : memref<16x768xf32, #tpu.memory_space<vmem>> -> memref<1x768xf32, #tpu.memory_space<vmem>>
      %dma_start3A_259 = tpu.memref_squeeze %dma_start3A_258 : memref<1x768xf32, #tpu.memory_space<vmem>> -> memref<768xf32, #tpu.memory_space<vmem>>
      %dma_start3A_260 = arith.constant 0 : i32
      %dma_start3A_261 = tpu.memref_slice %arg4[%add3A_256, %dma_start3A_260] : memref<65536x768xf32, #tpu.memory_space<hbm>> -> memref<1x768xf32, #tpu.memory_space<hbm>>
      %dma_start3A_262 = tpu.memref_squeeze %dma_start3A_261 : memref<1x768xf32, #tpu.memory_space<hbm>> -> memref<768xf32, #tpu.memory_space<hbm>>
      %dma_start3A_263 = arith.constant 0 : i32
      %dma_start3A_264 = tpu.memref_slice %arg4[%add3A_256, %dma_start3A_263] : memref<65536x768xf32, #tpu.memory_space<hbm>> -> memref<1x768xf32, #tpu.memory_space<hbm>>
      %dma_start3A_265 = tpu.memref_squeeze %dma_start3A_264 : memref<1x768xf32, #tpu.memory_space<hbm>> -> memref<768xf32, #tpu.memory_space<hbm>>
      %dma_start3A_266 = arith.constant 0 : i32
      %dma_start3A_267 = tpu.memref_slice %arg6[%squeeze3A_251, %dma_start3A_266] : memref<16x768xf32, #tpu.memory_space<vmem>> -> memref<1x768xf32, #tpu.memory_space<vmem>>
      %dma_start3A_268 = tpu.memref_squeeze %dma_start3A_267 : memref<1x768xf32, #tpu.memory_space<vmem>> -> memref<768xf32, #tpu.memory_space<vmem>>
      tpu.enqueue_dma source(%dma_start3A_268 : memref<768xf32, #tpu.memory_space<vmem>>) target(%dma_start3A_265 : memref<768xf32, #tpu.memory_space<hbm>>) target_semaphore(%arg7 : memref<!tpu.dma_semaphore, #tpu.memory_space<semaphore_mem>>)
      %slice3A_269 = vector.extract_strided_slice %get3A_23 {offsets = [13], sizes = [1], strides = [1]} : vector<16xi32> to vector<1xi32>
      %squeeze3A_270 = vector.extract %slice3A_269[0] : i32 from vector<1xi32>
      %mul3A_271 = arith.constant 16 : i32
      %mul3A_272 = arith.muli %scan3A_20, %mul3A_271 : i32
      %add3A_273 = arith.addi %mul3A_2, %mul3A_272 : i32
      %add3A_274 = arith.constant 13 : i32
      %add3A_275 = arith.addi %add3A_273, %add3A_274 : i32
      %dma_start3A_276 = arith.constant 0 : i32
      %dma_start3A_277 = tpu.memref_slice %arg6[%squeeze3A_270, %dma_start3A_276] : memref<16x768xf32, #tpu.memory_space<vmem>> -> memref<1x768xf32, #tpu.memory_space<vmem>>
      %dma_start3A_278 = tpu.memref_squeeze %dma_start3A_277 : memref<1x768xf32, #tpu.memory_space<vmem>> -> memref<768xf32, #tpu.memory_space<vmem>>
      %dma_start3A_279 = arith.constant 0 : i32
      %dma_start3A_280 = tpu.memref_slice %arg4[%add3A_275, %dma_start3A_279] : memref<65536x768xf32, #tpu.memory_space<hbm>> -> memref<1x768xf32, #tpu.memory_space<hbm>>
      %dma_start3A_281 = tpu.memref_squeeze %dma_start3A_280 : memref<1x768xf32, #tpu.memory_space<hbm>> -> memref<768xf32, #tpu.memory_space<hbm>>
      %dma_start3A_282 = arith.constant 0 : i32
      %dma_start3A_283 = tpu.memref_slice %arg4[%add3A_275, %dma_start3A_282] : memref<65536x768xf32, #tpu.memory_space<hbm>> -> memref<1x768xf32, #tpu.memory_space<hbm>>
      %dma_start3A_284 = tpu.memref_squeeze %dma_start3A_283 : memref<1x768xf32, #tpu.memory_space<hbm>> -> memref<768xf32, #tpu.memory_space<hbm>>
      %dma_start3A_285 = arith.constant 0 : i32
      %dma_start3A_286 = tpu.memref_slice %arg6[%squeeze3A_270, %dma_start3A_285] : memref<16x768xf32, #tpu.memory_space<vmem>> -> memref<1x768xf32, #tpu.memory_space<vmem>>
      %dma_start3A_287 = tpu.memref_squeeze %dma_start3A_286 : memref<1x768xf32, #tpu.memory_space<vmem>> -> memref<768xf32, #tpu.memory_space<vmem>>
      tpu.enqueue_dma source(%dma_start3A_287 : memref<768xf32, #tpu.memory_space<vmem>>) target(%dma_start3A_284 : memref<768xf32, #tpu.memory_space<hbm>>) target_semaphore(%arg7 : memref<!tpu.dma_semaphore, #tpu.memory_space<semaphore_mem>>)
      %slice3A_288 = vector.extract_strided_slice %get3A_23 {offsets = [14], sizes = [1], strides = [1]} : vector<16xi32> to vector<1xi32>
      %squeeze3A_289 = vector.extract %slice3A_288[0] : i32 from vector<1xi32>
      %mul3A_290 = arith.constant 16 : i32
      %mul3A_291 = arith.muli %scan3A_20, %mul3A_290 : i32
      %add3A_292 = arith.addi %mul3A_2, %mul3A_291 : i32
      %add3A_293 = arith.constant 14 : i32
      %add3A_294 = arith.addi %add3A_292, %add3A_293 : i32
      %dma_start3A_295 = arith.constant 0 : i32
      %dma_start3A_296 = tpu.memref_slice %arg6[%squeeze3A_289, %dma_start3A_295] : memref<16x768xf32, #tpu.memory_space<vmem>> -> memref<1x768xf32, #tpu.memory_space<vmem>>
      %dma_start3A_297 = tpu.memref_squeeze %dma_start3A_296 : memref<1x768xf32, #tpu.memory_space<vmem>> -> memref<768xf32, #tpu.memory_space<vmem>>
      %dma_start3A_298 = arith.constant 0 : i32
      %dma_start3A_299 = tpu.memref_slice %arg4[%add3A_294, %dma_start3A_298] : memref<65536x768xf32, #tpu.memory_space<hbm>> -> memref<1x768xf32, #tpu.memory_space<hbm>>
      %dma_start3A_300 = tpu.memref_squeeze %dma_start3A_299 : memref<1x768xf32, #tpu.memory_space<hbm>> -> memref<768xf32, #tpu.memory_space<hbm>>
      %dma_start3A_301 = arith.constant 0 : i32
      %dma_start3A_302 = tpu.memref_slice %arg4[%add3A_294, %dma_start3A_301] : memref<65536x768xf32, #tpu.memory_space<hbm>> -> memref<1x768xf32, #tpu.memory_space<hbm>>
      %dma_start3A_303 = tpu.memref_squeeze %dma_start3A_302 : memref<1x768xf32, #tpu.memory_space<hbm>> -> memref<768xf32, #tpu.memory_space<hbm>>
      %dma_start3A_304 = arith.constant 0 : i32
      %dma_start3A_305 = tpu.memref_slice %arg6[%squeeze3A_289, %dma_start3A_304] : memref<16x768xf32, #tpu.memory_space<vmem>> -> memref<1x768xf32, #tpu.memory_space<vmem>>
      %dma_start3A_306 = tpu.memref_squeeze %dma_start3A_305 : memref<1x768xf32, #tpu.memory_space<vmem>> -> memref<768xf32, #tpu.memory_space<vmem>>
      tpu.enqueue_dma source(%dma_start3A_306 : memref<768xf32, #tpu.memory_space<vmem>>) target(%dma_start3A_303 : memref<768xf32, #tpu.memory_space<hbm>>) target_semaphore(%arg7 : memref<!tpu.dma_semaphore, #tpu.memory_space<semaphore_mem>>)
      %slice3A_307 = vector.extract_strided_slice %get3A_23 {offsets = [15], sizes = [1], strides = [1]} : vector<16xi32> to vector<1xi32>
      %squeeze3A_308 = vector.extract %slice3A_307[0] : i32 from vector<1xi32>
      %mul3A_309 = arith.constant 16 : i32
      %mul3A_310 = arith.muli %scan3A_20, %mul3A_309 : i32
      %add3A_311 = arith.addi %mul3A_2, %mul3A_310 : i32
      %add3A_312 = arith.constant 15 : i32
      %add3A_313 = arith.addi %add3A_311, %add3A_312 : i32
      %dma_start3A_314 = arith.constant 0 : i32
      %dma_start3A_315 = tpu.memref_slice %arg6[%squeeze3A_308, %dma_start3A_314] : memref<16x768xf32, #tpu.memory_space<vmem>> -> memref<1x768xf32, #tpu.memory_space<vmem>>
      %dma_start3A_316 = tpu.memref_squeeze %dma_start3A_315 : memref<1x768xf32, #tpu.memory_space<vmem>> -> memref<768xf32, #tpu.memory_space<vmem>>
      %dma_start3A_317 = arith.constant 0 : i32
      %dma_start3A_318 = tpu.memref_slice %arg4[%add3A_313, %dma_start3A_317] : memref<65536x768xf32, #tpu.memory_space<hbm>> -> memref<1x768xf32, #tpu.memory_space<hbm>>
      %dma_start3A_319 = tpu.memref_squeeze %dma_start3A_318 : memref<1x768xf32, #tpu.memory_space<hbm>> -> memref<768xf32, #tpu.memory_space<hbm>>
      %dma_start3A_320 = arith.constant 0 : i32
      %dma_start3A_321 = tpu.memref_slice %arg4[%add3A_313, %dma_start3A_320] : memref<65536x768xf32, #tpu.memory_space<hbm>> -> memref<1x768xf32, #tpu.memory_space<hbm>>
      %dma_start3A_322 = tpu.memref_squeeze %dma_start3A_321 : memref<1x768xf32, #tpu.memory_space<hbm>> -> memref<768xf32, #tpu.memory_space<hbm>>
      %dma_start3A_323 = arith.constant 0 : i32
      %dma_start3A_324 = tpu.memref_slice %arg6[%squeeze3A_308, %dma_start3A_323] : memref<16x768xf32, #tpu.memory_space<vmem>> -> memref<1x768xf32, #tpu.memory_space<vmem>>
      %dma_start3A_325 = tpu.memref_squeeze %dma_start3A_324 : memref<1x768xf32, #tpu.memory_space<vmem>> -> memref<768xf32, #tpu.memory_space<vmem>>
      tpu.enqueue_dma source(%dma_start3A_325 : memref<768xf32, #tpu.memory_space<vmem>>) target(%dma_start3A_322 : memref<768xf32, #tpu.memory_space<hbm>>) target_semaphore(%arg7 : memref<!tpu.dma_semaphore, #tpu.memory_space<semaphore_mem>>)
    }
    %scan3A_14 = arith.constant 128 : i32
    %scan3A_15 = arith.constant 0 : i32
    %scan3A_16 = arith.constant 128 : i32
    %scan3A_17 = arith.addi %scan3A_15, %scan3A_16 : i32
    %scan3A_18 = arith.constant 1 : i32
    scf.for %scan3A_20 = %scan3A_15 to %scan3A_17 step %scan3A_18  : i32 {
      %mul3A_21 = arith.constant 16 : i32
      %mul3A_22 = arith.muli %scan3A_20, %mul3A_21 : i32
      %add3A_23 = arith.addi %mul3A_2, %mul3A_22 : i32
      %dma_wait3A_24 = arith.constant 0 : i32
      %dma_wait3A_25 = tpu.memref_slice %arg4[%add3A_23, %dma_wait3A_24] : memref<65536x768xf32, #tpu.memory_space<hbm>> -> memref<16x768xf32, #tpu.memory_space<hbm>>
      %dma_wait3A_26 = arith.constant 0 : i32
      %dma_wait3A_27 = tpu.memref_slice %arg4[%add3A_23, %dma_wait3A_26] : memref<65536x768xf32, #tpu.memory_space<hbm>> -> memref<16x768xf32, #tpu.memory_space<hbm>>
      tpu.wait_dma2 semaphore(%arg7 : memref<!tpu.dma_semaphore, #tpu.memory_space<semaphore_mem>>) src(%arg6 : memref<16x768xf32, #tpu.memory_space<vmem>>) dst(%dma_wait3A_27 : memref<16x768xf32, #tpu.memory_space<hbm>>)
    }
    %scan3A_19 = arith.constant 128 : i32
    return
  }
}

</mosaic_0001>

<sc_bundles>
// kernel: kernel.3.cloned.1.call-start
scs
__scs_entry_jumppad:
0x0: {  	(pc) =	sbr.rel $0x88, $3  }
0x1: {  	(tag) =	ssettag $0x0;
	lr =	simm.s32 $0x1  }
0x2: {  	[smem:$0x3F9F] =	sst lr;
	_ =	strace $0xD0000000  }
0x3: {  	_ = 	snop  }
0x4: {  	_ = 	snop  }
0x5: {  	_ = 	snop  }
0x6: {  	_ = 	snop  }
0x7: {  	_ = 	snop  }
__scs_overlays_trampoline_lowered:
0x8: {  	[smem:$0x3FAE] =	sst s0  }
0x9: {  	[smem:$0x3FAF] =	sst s1  }
0xa: {  	[smem:$0x3FB0] =	sst s2  }
0xb: {  	[smem:$0x3FB1] =	sst s3  }
0xc: {  	[smem:$0x3FB2] =	sst s4  }
0xd: {  	[smem:$0x3FB3] =	sst s5  }
0xe: {  	[smem:$0x3FB4] =	sst s6  }
0xf: {  	[smem:$0x3FB5] =	sst s7  }
0x10: {  	[smem:$0x3FB6] =	sst s8  }
0x11: {  	[smem:$0x3FB7] =	sst s9;
	s0 =	simm.s32 @!p0 $0x0  }
0x12: {  	s1 =	sld [smem:$0x3F9D];
	s0 =	simm.s32 @p0 $0x1  }
0x13: {  	[smem:$0x3FB8] =	sst s0;
	s0 =	simm.s32 @!p1 $0x0  }
0x14: {  	s2 =	sld [smem:$0x3F9C];
	s0 =	simm.s32 @p1 $0x1  }
0x15: {  	[smem:$0x3FB9] =	sst s0;
	s0 =	simm.s32 @!p2 $0x0  }
0x16: {  	s3 =	sld [smem:$0x3FDB];
	s0 =	simm.s32 @p2 $0x1  }
0x17: {  	s4 =	simm.s32 $0x1BF5;
	[smem:$0x3FBB] =	sst s0  }
0x18: {  	s0 =	sld [smem:$0x3F9E];
	_ =	swait.ge [sflag:s4], $0x0  }
0x19: {  	s7 =	sld [smem:$0x3F9F]  }
0x1a: {  	s8 =	sadd.s32 $0xFFFFE003, lr  }
0x1b: {  	s9 =	sadd.s32 $0xFFFFFEF7, lr;
	s5 =	simm.s32 $0xFFFFFFFF;
	p2 =	slt.u32 s8, $0xFFFFF086  }
0x1c: {  	p1 =	slt.u32 s9, $0xF7A;
	s5 =	simm.s32 @!p2 $0x0  }
0x1d: {  	s5 =	simm.s32 @p1 $0x1;
	p0 =	seq.s32 s7, s2  }
0x1e: {  	s7 =	smul.u32 @!p0 $0xF7A, s2;
	p2 =	seq.s32 @!p0 s5, $0x0  }
0x1f: {  	s9 =	smul.u32 $0xF7A, s1;
	s8 =	simm.s32 @!p0 $0x1BF5;
	p2 =	por !p2, p0  }
0x20: {  	[sflag:s8] =	ssyncset.s32 @!p0 $0xFFFFF086;
	s6 =	sadd.s32 @!p0 s3, s7;
	s7 =	simm.s32 @!p0 $0x108  }
0x21: {  	s3 =	sadd.s32 s3, s9;
	s6 =	sadd.s32 @!p0 $0x88, s6;
	s7 =	simm.s32 @p2 $0x1082  }
0x22: {  	[simem:s7], [sflag:s8] =	dma.local @!p0 [hbm:s6], $0xF7A  }
0x23: {  	s9 =	sor.u32 $0xD0000000, s2;
	s6 =	simm.s32 $0x108;
	_ =	swait.ge @!p0 [sflag:s8], $0x0  }
0x24: {  	s3 =	sadd.s32 $0x88, s3;
	s6 =	simm.s32 @!p1 $0x1082;
	[sflag:s4] =	ssyncset.s32 $0xFFFFF086  }
0x25: {  	[simem:s6], [sflag:s4] =	dma.local [hbm:s3], $0xF7A  }
0x26: {  	[smem:$0x3F9F] =	sst s1;
	(tag) =	ssettag s2;
	_ =	strace s9  }
0x27: {  	s1 =	sld [smem:$0x3FAF]  }
0x28: {  	s2 =	sld [smem:$0x3FB0]  }
0x29: {  	s4 =	sld [smem:$0x3FB2]  }
0x2a: {  	p0 =	seq.s32 s5, $0x0;
	s5 =	sld [smem:$0x3FB3]  }
0x2b: {  	s6 =	sld [smem:$0x3FB4]  }
0x2c: {  	s7 =	sld [smem:$0x3FB5]  }
0x2d: {  	s3 =	simm.s32 $0x108;
	s8 =	sld [smem:$0x3FB6]  }
0x2e: {  	s3 =	simm.s32 @!p0 $0x1082;
	s9 =	sld [smem:$0x3FB7]  }
0x2f: {  	lr =	sadd.s32 s0, s3;
	s0 =	sld [smem:$0x3FAE]  }
0x30: {  	s3 =	sld [smem:$0x3FB1]  }
0x31: {  	[smem:$0x3FBA] =	sst s10  }
0x32: {  	s10 =	sld [smem:$0x3FB8];
	_ =	sdelay $0x3  }
0x33: {  	p0 =	seq.s32 s10, $0x1;
	s10 =	sld [smem:$0x3FBA];
	_ =	sdelay $0x3  }
0x34: {  	[smem:$0x3FBA] =	sst s10  }
0x35: {  	s10 =	sld [smem:$0x3FB9];
	_ =	sdelay $0x3  }
0x36: {  	p1 =	seq.s32 s10, $0x1;
	s10 =	sld [smem:$0x3FBA];
	_ =	sdelay $0x3  }
0x37: {  	[smem:$0x3FBA] =	sst s10  }
0x38: {  	s10 =	sld [smem:$0x3FBB]  }
0x39: {  	_ = 	snop;
	(pc) =	sbr.ind lr, $3  }
0x3a: {  	_ = 	snop  }
0x3b: {  	_ = 	snop  }
0x3c: {  	p2 =	seq.s32 s10, $0x1;
	s10 =	sld [smem:$0x3FBA]  }
0x3d: {  	_ =	shalt  }
0x3e: {  	_ =	shalt  }
0x3f: {  	_ =	shalt  }
0x40: {  	_ =	shalt  }
0x41: {  	_ =	shalt  }
0x42: {  	_ =	shalt  }
0x43: {  	_ =	shalt  }
0x44: {  	_ =	shalt  }
0x45: {  	_ =	shalt  }
0x46: {  	_ =	shalt  }
0x47: {  	_ =	shalt  }
0x48: {  	_ =	shalt  }
0x49: {  	_ =	shalt  }
0x4a: {  	_ =	shalt  }
0x4b: {  	_ =	shalt  }
0x4c: {  	_ =	shalt  }
0x4d: {  	_ =	shalt  }
0x4e: {  	_ =	shalt  }
0x4f: {  	_ =	shalt  }
0x50: {  	_ =	shalt  }
0x51: {  	_ =	shalt  }
0x52: {  	_ =	shalt  }
0x53: {  	_ =	shalt  }
0x54: {  	_ =	shalt  }
0x55: {  	_ =	shalt  }
0x56: {  	_ =	shalt  }
0x57: {  	_ =	shalt  }
0x58: {  	_ =	shalt  }
0x59: {  	_ =	shalt  }
0x5a: {  	_ =	shalt  }
0x5b: {  	_ =	shalt  }
0x5c: {  	_ =	shalt  }
0x5d: {  	_ =	shalt  }
0x5e: {  	_ =	shalt  }
0x5f: {  	_ =	shalt  }
0x60: {  	_ =	shalt  }
0x61: {  	_ =	shalt  }
0x62: {  	_ =	shalt  }
0x63: {  	_ =	shalt  }
0x64: {  	_ =	shalt  }
0x65: {  	_ =	shalt  }
0x66: {  	_ =	shalt  }
0x67: {  	_ =	shalt  }
0x68: {  	_ =	shalt  }
0x69: {  	_ =	shalt  }
0x6a: {  	_ =	shalt  }
0x6b: {  	_ =	shalt  }
0x6c: {  	_ =	shalt  }
0x6d: {  	_ =	shalt  }
0x6e: {  	_ =	shalt  }
0x6f: {  	_ =	shalt  }
0x70: {  	_ =	shalt  }
0x71: {  	_ =	shalt  }
0x72: {  	_ =	shalt  }
0x73: {  	_ =	shalt  }
0x74: {  	_ =	shalt  }
0x75: {  	_ =	shalt  }
0x76: {  	_ =	shalt  }
0x77: {  	_ =	shalt  }
0x78: {  	_ =	shalt  }
0x79: {  	_ =	shalt  }
0x7a: {  	_ =	shalt  }
0x7b: {  	_ =	shalt  }
0x7c: {  	_ =	shalt  }
0x7d: {  	_ =	shalt  }
0x7e: {  	_ =	shalt  }
0x7f: {  	_ =	shalt  }
0x80: {  	_ =	shalt  }
0x81: {  	_ =	shalt  }
0x82: {  	_ =	shalt  }
0x83: {  	_ =	shalt  }
0x84: {  	_ =	shalt  }
0x85: {  	_ =	shalt  }
0x86: {  	_ =	shalt  }
0x87: {  	_ =	shalt  }
.Lfunc_end0:
.L_simem_size_0:
called_computation_lowered:
.L_overlay_start_0:
0x88: {  	s2 =	sld [smem:$0x3FD9]  }
0x89: {  	s3 =	sld [smem:$0x3FFE];
	_ =	sdelay $0x1  }
0x8a: {  	s1 =	srdreg.scid  }
0x8b: {  	s0 =	sand.u32 $0x1, s1  }
0x8c: {  	s17 =	sshll.u32 s0, $0xA;
	s2 =	sadd.s32 s3, s2  }
0x8d: {  	s2 =	sadd.s32 s2, s17  }
0x8e: {  	[smem:$0x3FC6] =	sst s2  }
0x8f: {  	_ = 	snop  }
0x90: {  	s2 =	sld [smem:$0x3FC8]  }
0x91: {  	s18 =	sld [smem:$0x3FD0];
	(tm) =	ssettm $0x1  }
0x92: {  	s4 =	sld [smem:$0x3FFB];
	_ =	sdelay $0x3  }
0x93: {  	_ =	strace s4  }
0x94: {  	s4 =	sld [smem:$0x3FFC];
	_ =	sdelay $0x3  }
0x95: {  	_ =	strace s4  }
0x96: {  	s4 =	sld [smem:$0x3FFD];
	_ =	sdelay $0x3  }
0x97: {  	_ =	strace s4  }
0x98: {  	_ =	strace $0x8FFFFFFF  }
0x99: {  	s19 =	sld [smem:$0x3FDB];
	_ =	sdelay $0x1  }
0x9a: {  	s5 =	simm.s32 $_scs_section_size  }
0x9b: {  	s6 =	simm.s32 $_size__tile_overlayer_lowered;
	s7 =	simm.s32 $_tile_overlayer_lowered  }
0x9c: {  	s22 =	simm.s32 $0x1BFF;
	s21 =	sshll.u32 s7, $0x1;
	s4 =	sadd.s32 s5, s19  }
0x9d: {  	s8 =	simm.s32 $0x0;
	s20 =	sshll.u32 s6, $0x1;
	s6 =	sadd.s32 s21, s4  }
0x9e: {  	[timem:s8], [sflag:s22] =	dma.local [hbm:s6], s20  }
0x9f: {  	_ =	swait.ge [sflag:s22], s20  }
0xa0: {  	s5 =	ssub.s32 $0x0, s20;
	[sflag:s22] =	ssyncset.done $0x0  }
0xa1: {  	[sflag:s22] =	ssyncadd.s32 s5;
	_ =	sdelay $0x1  }
0xa2: {  	s23 =	simm.s32 $0x1B8B  }
0xa3: {  	_ =	swait.ge [sflag:s23], $0x1  }
0xa4: {  	[sflag:s23] =	ssyncset.done $0x0  }
0xa5: {  	s25 =	simm.s32 $0x1B8E;
	s24 =	sld [smem:$0x3FFE];
	[sflag:s23] =	ssyncadd.s32 $0xFFFFFFFF  }
0xa6: {  	s26 =	simm.s32 $execute0_lowered;
	[smem:$0x3FD2] =	sst s25  }
0xa7: {  	s6 =	sshll.u32 s26, $0x1;
	_ =	strace $0x80000046;
	[dreg:$0x1] =	wrdreg $0xFFFFFFFF  }
0xa8: {  	s28 =	simm.s32 $_size_execute0_lowered;
	s4 =	sadd.s32 s4, s6;
	[dreg:$0x0] =	wrdreg $0x0  }
0xa9: {  	s6 =	sshll.u32 s28, $0x1;
	[dreg:$0x2] =	wrdreg s4  }
0xaa: {  	[dreg:$0x3] =	wrdreg s6  }
0xab: {  	[dreg:$0x4] =	wrdreg $0xC0  }
0xac: {  	_ =	task [dreg:s8], $0x5FFFF  }
0xad: {  	[dreg:$0x1] =	wrdreg $0xFFFFFFFF  }
0xae: {  	[dreg:$0x0] =	wrdreg $0x60  }
0xaf: {  	[dreg:$0x2] =	wrdreg s24  }
0xb0: {  	[dreg:$0x3] =	wrdreg s2  }
0xb1: {  	[dreg:$0x4] =	wrdreg s18  }
0xb2: {  	[dreg:$0x5] =	wrdreg $0x9  }
0xb3: {  	_ =	task.clear_ibuf [dreg:s8], $0x6FFFF;
	_ =	strace $0x90000046  }
0xb4: {  	s29 =	simm.s32 $0x9;
	_ =	strace $0x80000048  }
0xb5: {  	_ =	swait.ge [sflag:s29], $0x1  }
0xb6: {  	[sflag:s29] =	ssyncadd.s32 $0xFFFFFFFF  }
0xb7: {  	_ =	strace $0x90000048  }
0xb8: {  	_ =	sfence  }
0xb9: {  	s30 =	sld [smem:$0x0];
	_ =	sdelay $0x2  }
0xba: {  	s31 =	sshll.u32 s1, $0xD;
	s1 =	sshrl.u32 s1, $0x2  }
0xbb: {  	s3 =	sand.u32 $0x4000, s31;
	s1 =	sadd.s32 s1, s30  }
0xbc: {  	s0 =	sor.u32 s3, s0;
	s1 =	sshll.u32 s1, $0x11  }
0xbd: {  	s0 =	sor.u32 s1, s0  }
0xbe: {  	s0 =	sadd.s32 $0x8F2B, s0  }
0xbf: {  	[sflag:s0] =	ssyncadd.remote.s32 $0x1  }
0xc0: {  	_ =	sfence.sel $0xFFFF  }
0xc1: {  	[dreg:$0x0] =	wrdreg $0xFFFFFFFF;
	(pc) =	sbr.abs _section_cstart, $3  }
0xc2: {  	[dreg:$0x1] =	wrdreg $0xFFFFFFFF  }
0xc3: {  	_ =	task.clear_ibuf [dreg:s8], $0x2FFFF;
	_ =	strace $0x9FFFFFFF  }
0xc4: {  	(tm) =	ssettm $0x7FFFFFFF  }
0xc5: {  	_ =	shalt  }
tec
execute0_lowered:
.L_overlay_start_1:
0x0: {  	(tag) =	ssettag $0x1  }
0x1: {  	s4 =	rddreg [dreg:$0x0]  }
0x2: {  	s1 =	srdreg.scid;
	s2 =	rddreg [dreg:$0x1]  }
0x3: {  	s0 =	stileid.u32;
	s6 =	rddreg [dreg:$0x2];
	s5 =	sand.u32 $0x1, s1  }
0x4: {  	s9 =	simm.s32 $0x0;
	s30 =	sshll.u32 s0, $0xC;
	s3 =	sshll.u32 s5, $0xB  }
0x5: {  	s1 =	rddreg [dreg:$0x3];
	s5 =	ssub.s32 $0x2, s5;
	s7 =	sor.u32 s3, s30  }
0x6: {  	s3 =	simm.s32 $0x0;
	s31 =	sshrl.u32 s5, $0x1;
	s8 =	sshrl.u32 s7, $0x3  }
0x7: {  	[smem:$0x7FF] =	sst s3;
	s4 =	sadd.s32 s7, s4;
	s8 =	smul.u32 $0x300, s8  }
0x8: {  	s5 =	ssub.s32 s5, s31;
	s7 =	simm.s32 $0x2;
	_ =	strace $0x80000047  }
0x9: {  	s4 =	sadd.s32 $0x400, s4;
	s5 =	smax.u32 s5, $0x1;
	s6 =	sadd.s32 s8, s6  }
0xa: {  	s8 =	simm.s32 $0x1;
	[dreg:$0x4] =	wrdreg s6;
	s6 =	simm.s32 $0x4000  }
.LBB2_1:
0xb: {  	[tilespmem:s6], [sflag:$0x2] =	stream.linear.gather [hbm4b:s2+s3], $0x3000, $0x38;
	[tilespmem:$0x7000] =	vst v63  }
0xc: {  	_ = 	snop  }
0xd: {  	[tilespmem:s3], [sflag:$0x2] =	stream.linear.gather [hbm4b:s4+s3], $0x4000, $0x38;
	[tilespmem:$0x7000] =	vst v63  }
0xe: {  	_ =	swait.ge [sflag:s7], $0x3000  }
0xf: {  	[sflag:s7] =	ssyncset.done $0x0  }
0x10: {  	[sflag:s7] =	ssyncadd.s32 $0xFFFFD000  }
0x11: {  	_ =	swait.ge [sflag:s7], $0x4000  }
0x12: {  	[sflag:s7] =	ssyncset.done $0x0  }
0x13: {  	s10 =	simm.s32 $0x0;
	s11 =	simm.s32 $0x0;
	[sflag:s7] =	ssyncadd.s32 $0xFFFFC000  }
.LBB2_2:
0x14: {  	v0 =	vld [tilespmem:s10+$0x0];
	_ =	sdelay $0x4  }
0x15: {  	(v2sf) =	vpush v0, $0x0;
	_ =	sdelay $0xe  }
0x16: {  	s12 =	spop (v2sf)  }
0x17: {  	(v2sf) =	vpush v0, $0x1;
	s13 =	sshrl.u32 s12, $0x3  }
0x18: {  	s13 =	smul.u32 $0x6000, s13  }
0x19: {  	s12 =	sshll.u32 s12, $0x7  }
0x1a: {  	s12 =	sand.u32 $0x380, s12;
	s13 =	sshra.s32 s13, $0x2  }
0x1b: {  	s14 =	rddreg [dreg:$0x4];
	s13 =	sor.u32 s12, s13  }
0x1c: {  	s12 =	sadd.s32 s11, s14;
	s25 =	sadd.s32 $0x4000, s13  }
0x1d: {  	[hbm4b:s12+s3] =	stream.linear.scatter [tilespmem:s25], [sflag:$0x1], $0x80, $0x38;
	[tilespmem:$0x7000] =	vst v63  }
0x1e: {  	s26 =	sadd.s32 $0x4400, s13;
	s15 =	sadd.s32 $0x80, s12  }
0x1f: {  	[hbm4b:s15+s3] =	stream.linear.scatter [tilespmem:s26], [sflag:$0x1], $0x80, $0x38;
	[tilespmem:$0x7000] =	vst v63  }
0x20: {  	s28 =	sadd.s32 $0x4800, s13;
	s29 =	sadd.s32 $0x100, s12  }
0x21: {  	[hbm4b:s29+s3] =	stream.linear.scatter [tilespmem:s28], [sflag:$0x1], $0x80, $0x38;
	[tilespmem:$0x7000] =	vst v63  }
0x22: {  	s30 =	sadd.s32 $0x4C00, s13;
	s31 =	sadd.s32 $0x180, s12  }
0x23: {  	[hbm4b:s31+s3] =	stream.linear.scatter [tilespmem:s30], [sflag:$0x1], $0x80, $0x38;
	[tilespmem:$0x7000] =	vst v63  }
0x24: {  	s16 =	sadd.s32 $0x5000, s13;
	s17 =	sadd.s32 $0x200, s12  }
0x25: {  	[hbm4b:s17+s3] =	stream.linear.scatter [tilespmem:s16], [sflag:$0x1], $0x80, $0x38;
	[tilespmem:$0x7000] =	vst v63  }
0x26: {  	s19 =	spop (v2sf)  }
0x27: {  	s13 =	sadd.s32 $0x5400, s13;
	s18 =	sadd.s32 $0x280, s12;
	s20 =	sshrl.u32 s19, $0x3  }
0x28: {  	(v2sf) =	vpush v0, $0x2;
	[hbm4b:s18+s3] =	stream.linear.scatter [tilespmem:s13], [sflag:$0x1], $0x80, $0x38;
	[tilespmem:$0x7000] =	vst v63  }
0x29: {  	s14 =	smul.u32 $0x6000, s20  }
0x2a: {  	s13 =	sshll.u32 s19, $0x7  }
0x2b: {  	s13 =	sand.u32 $0x380, s13;
	s14 =	sshra.s32 s14, $0x2  }
0x2c: {  	s13 =	sor.u32 s13, s14  }
0x2d: {  	s21 =	sadd.s32 $0x10, s12;
	s22 =	sadd.s32 $0x4000, s13  }
0x2e: {  	[hbm4b:s21+s3] =	stream.linear.scatter [tilespmem:s22], [sflag:$0x1], $0x80, $0x38;
	[tilespmem:$0x7000] =	vst v63  }
0x2f: {  	s24 =	sadd.s32 $0x90, s12;
	s23 =	sadd.s32 $0x4400, s13  }
0x30: {  	[hbm4b:s24+s3] =	stream.linear.scatter [tilespmem:s23], [sflag:$0x1], $0x80, $0x38;
	[tilespmem:$0x7000] =	vst v63  }
0x31: {  	s26 =	sadd.s32 $0x110, s12;
	s25 =	sadd.s32 $0x4800, s13  }
0x32: {  	[hbm4b:s26+s3] =	stream.linear.scatter [tilespmem:s25], [sflag:$0x1], $0x80, $0x38;
	[tilespmem:$0x7000] =	vst v63  }
0x33: {  	s29 =	sadd.s32 $0x190, s12;
	s28 =	sadd.s32 $0x4C00, s13  }
0x34: {  	[hbm4b:s29+s3] =	stream.linear.scatter [tilespmem:s28], [sflag:$0x1], $0x80, $0x38;
	[tilespmem:$0x7000] =	vst v63  }
0x35: {  	s31 =	sadd.s32 $0x210, s12;
	s30 =	sadd.s32 $0x5000, s13  }
0x36: {  	[hbm4b:s31+s3] =	stream.linear.scatter [tilespmem:s30], [sflag:$0x1], $0x80, $0x38;
	[tilespmem:$0x7000] =	vst v63  }
0x37: {  	s17 =	spop (v2sf)  }
0x38: {  	s16 =	sadd.s32 $0x290, s12;
	s13 =	sadd.s32 $0x5400, s13;
	s18 =	sshrl.u32 s17, $0x3  }
0x39: {  	(v2sf) =	vpush v0, $0x3;
	[hbm4b:s16+s3] =	stream.linear.scatter [tilespmem:s13], [sflag:$0x1], $0x80, $0x38;
	[tilespmem:$0x7000] =	vst v63  }
0x3a: {  	s14 =	smul.u32 $0x6000, s18  }
0x3b: {  	s13 =	sshll.u32 s17, $0x7  }
0x3c: {  	s13 =	sand.u32 $0x380, s13;
	s14 =	sshra.s32 s14, $0x2  }
0x3d: {  	s13 =	sor.u32 s13, s14  }
0x3e: {  	s19 =	sadd.s32 $0x20, s12;
	s20 =	sadd.s32 $0x4000, s13  }
0x3f: {  	[hbm4b:s19+s3] =	stream.linear.scatter [tilespmem:s20], [sflag:$0x1], $0x80, $0x38;
	[tilespmem:$0x7000] =	vst v63  }
0x40: {  	s22 =	sadd.s32 $0xA0, s12;
	s21 =	sadd.s32 $0x4400, s13  }
0x41: {  	[hbm4b:s22+s3] =	stream.linear.scatter [tilespmem:s21], [sflag:$0x1], $0x80, $0x38;
	[tilespmem:$0x7000] =	vst v63  }
0x42: {  	s24 =	sadd.s32 $0x120, s12;
	s23 =	sadd.s32 $0x4800, s13  }
0x43: {  	[hbm4b:s24+s3] =	stream.linear.scatter [tilespmem:s23], [sflag:$0x1], $0x80, $0x38;
	[tilespmem:$0x7000] =	vst v63  }
0x44: {  	s26 =	sadd.s32 $0x1A0, s12;
	s25 =	sadd.s32 $0x4C00, s13  }
0x45: {  	[hbm4b:s26+s3] =	stream.linear.scatter [tilespmem:s25], [sflag:$0x1], $0x80, $0x38;
	[tilespmem:$0x7000] =	vst v63  }
0x46: {  	s29 =	sadd.s32 $0x220, s12;
	s28 =	sadd.s32 $0x5000, s13  }
0x47: {  	[hbm4b:s29+s3] =	stream.linear.scatter [tilespmem:s28], [sflag:$0x1], $0x80, $0x38;
	[tilespmem:$0x7000] =	vst v63  }
0x48: {  	s31 =	spop (v2sf)  }
0x49: {  	s30 =	sadd.s32 $0x2A0, s12;
	s13 =	sadd.s32 $0x5400, s13;
	s15 =	sshrl.u32 s31, $0x3  }
0x4a: {  	(v2sf) =	vpush v0, $0x4;
	[hbm4b:s30+s3] =	stream.linear.scatter [tilespmem:s13], [sflag:$0x1], $0x80, $0x38;
	[tilespmem:$0x7000] =	vst v63  }
0x4b: {  	s14 =	smul.u32 $0x6000, s15  }
0x4c: {  	s13 =	sshll.u32 s31, $0x7  }
0x4d: {  	s13 =	sand.u32 $0x380, s13;
	s14 =	sshra.s32 s14, $0x2  }
0x4e: {  	s13 =	sor.u32 s13, s14  }
0x4f: {  	s16 =	sadd.s32 $0x30, s12;
	s17 =	sadd.s32 $0x4000, s13  }
0x50: {  	[hbm4b:s16+s3] =	stream.linear.scatter [tilespmem:s17], [sflag:$0x1], $0x80, $0x38;
	[tilespmem:$0x7000] =	vst v63  }
0x51: {  	s19 =	sadd.s32 $0xB0, s12;
	s18 =	sadd.s32 $0x4400, s13  }
0x52: {  	[hbm4b:s19+s3] =	stream.linear.scatter [tilespmem:s18], [sflag:$0x1], $0x80, $0x38;
	[tilespmem:$0x7000] =	vst v63  }
0x53: {  	s21 =	sadd.s32 $0x130, s12;
	s20 =	sadd.s32 $0x4800, s13  }
0x54: {  	[hbm4b:s21+s3] =	stream.linear.scatter [tilespmem:s20], [sflag:$0x1], $0x80, $0x38;
	[tilespmem:$0x7000] =	vst v63  }
0x55: {  	s23 =	sadd.s32 $0x1B0, s12;
	s22 =	sadd.s32 $0x4C00, s13  }
0x56: {  	[hbm4b:s23+s3] =	stream.linear.scatter [tilespmem:s22], [sflag:$0x1], $0x80, $0x38;
	[tilespmem:$0x7000] =	vst v63  }
0x57: {  	s25 =	sadd.s32 $0x230, s12;
	s24 =	sadd.s32 $0x5000, s13  }
0x58: {  	[hbm4b:s25+s3] =	stream.linear.scatter [tilespmem:s24], [sflag:$0x1], $0x80, $0x38;
	[tilespmem:$0x7000] =	vst v63  }
0x59: {  	s28 =	spop (v2sf)  }
0x5a: {  	s26 =	sadd.s32 $0x2B0, s12;
	s13 =	sadd.s32 $0x5400, s13;
	s29 =	sshrl.u32 s28, $0x3  }
0x5b: {  	(v2sf) =	vpush v0, $0x5;
	[hbm4b:s26+s3] =	stream.linear.scatter [tilespmem:s13], [sflag:$0x1], $0x80, $0x38;
	[tilespmem:$0x7000] =	vst v63  }
0x5c: {  	s14 =	smul.u32 $0x6000, s29  }
0x5d: {  	s13 =	sshll.u32 s28, $0x7  }
0x5e: {  	s13 =	sand.u32 $0x380, s13;
	s14 =	sshra.s32 s14, $0x2  }
0x5f: {  	s13 =	sor.u32 s13, s14  }
0x60: {  	s30 =	sadd.s32 $0x40, s12;
	s31 =	sadd.s32 $0x4000, s13  }
0x61: {  	[hbm4b:s30+s3] =	stream.linear.scatter [tilespmem:s31], [sflag:$0x1], $0x80, $0x38;
	[tilespmem:$0x7000] =	vst v63  }
0x62: {  	s17 =	sadd.s32 $0xC0, s12;
	s16 =	sadd.s32 $0x4400, s13  }
0x63: {  	[hbm4b:s17+s3] =	stream.linear.scatter [tilespmem:s16], [sflag:$0x1], $0x80, $0x38;
	[tilespmem:$0x7000] =	vst v63  }
0x64: {  	s19 =	sadd.s32 $0x140, s12;
	s18 =	sadd.s32 $0x4800, s13  }
0x65: {  	[hbm4b:s19+s3] =	stream.linear.scatter [tilespmem:s18], [sflag:$0x1], $0x80, $0x38;
	[tilespmem:$0x7000] =	vst v63  }
0x66: {  	s21 =	sadd.s32 $0x1C0, s12;
	s20 =	sadd.s32 $0x4C00, s13  }
0x67: {  	[hbm4b:s21+s3] =	stream.linear.scatter [tilespmem:s20], [sflag:$0x1], $0x80, $0x38;
	[tilespmem:$0x7000] =	vst v63  }
0x68: {  	s23 =	sadd.s32 $0x240, s12;
	s22 =	sadd.s32 $0x5000, s13  }
0x69: {  	[hbm4b:s23+s3] =	stream.linear.scatter [tilespmem:s22], [sflag:$0x1], $0x80, $0x38;
	[tilespmem:$0x7000] =	vst v63  }
0x6a: {  	s25 =	spop (v2sf)  }
0x6b: {  	s24 =	sadd.s32 $0x2C0, s12;
	s13 =	sadd.s32 $0x5400, s13;
	s26 =	sshrl.u32 s25, $0x3  }
0x6c: {  	(v2sf) =	vpush v0, $0x6;
	[hbm4b:s24+s3] =	stream.linear.scatter [tilespmem:s13], [sflag:$0x1], $0x80, $0x38;
	[tilespmem:$0x7000] =	vst v63  }
0x6d: {  	s14 =	smul.u32 $0x6000, s26  }
0x6e: {  	s13 =	sshll.u32 s25, $0x7  }
0x6f: {  	s13 =	sand.u32 $0x380, s13;
	s14 =	sshra.s32 s14, $0x2  }
0x70: {  	s13 =	sor.u32 s13, s14  }
0x71: {  	s28 =	sadd.s32 $0x50, s12;
	s29 =	sadd.s32 $0x4000, s13  }
0x72: {  	[hbm4b:s28+s3] =	stream.linear.scatter [tilespmem:s29], [sflag:$0x1], $0x80, $0x38;
	[tilespmem:$0x7000] =	vst v63  }
0x73: {  	s31 =	sadd.s32 $0xD0, s12;
	s30 =	sadd.s32 $0x4400, s13  }
0x74: {  	[hbm4b:s31+s3] =	stream.linear.scatter [tilespmem:s30], [sflag:$0x1], $0x80, $0x38;
	[tilespmem:$0x7000] =	vst v63  }
0x75: {  	s17 =	sadd.s32 $0x150, s12;
	s16 =	sadd.s32 $0x4800, s13  }
0x76: {  	[hbm4b:s17+s3] =	stream.linear.scatter [tilespmem:s16], [sflag:$0x1], $0x80, $0x38;
	[tilespmem:$0x7000] =	vst v63  }
0x77: {  	s19 =	sadd.s32 $0x1D0, s12;
	s18 =	sadd.s32 $0x4C00, s13  }
0x78: {  	[hbm4b:s19+s3] =	stream.linear.scatter [tilespmem:s18], [sflag:$0x1], $0x80, $0x38;
	[tilespmem:$0x7000] =	vst v63  }
0x79: {  	s21 =	sadd.s32 $0x250, s12;
	s20 =	sadd.s32 $0x5000, s13  }
0x7a: {  	[hbm4b:s21+s3] =	stream.linear.scatter [tilespmem:s20], [sflag:$0x1], $0x80, $0x38;
	[tilespmem:$0x7000] =	vst v63  }
0x7b: {  	s23 =	spop (v2sf)  }
0x7c: {  	s22 =	sadd.s32 $0x2D0, s12;
	s13 =	sadd.s32 $0x5400, s13;
	s24 =	sshrl.u32 s23, $0x3  }
0x7d: {  	(v2sf) =	vpush v0, $0x7;
	[hbm4b:s22+s3] =	stream.linear.scatter [tilespmem:s13], [sflag:$0x1], $0x80, $0x38;
	[tilespmem:$0x7000] =	vst v63  }
0x7e: {  	s14 =	smul.u32 $0x6000, s24  }
0x7f: {  	s13 =	sshll.u32 s23, $0x7  }
0x80: {  	s13 =	sand.u32 $0x380, s13;
	s14 =	sshra.s32 s14, $0x2  }
0x81: {  	s13 =	sor.u32 s13, s14  }
0x82: {  	s25 =	sadd.s32 $0x60, s12;
	s26 =	sadd.s32 $0x4000, s13  }
0x83: {  	[hbm4b:s25+s3] =	stream.linear.scatter [tilespmem:s26], [sflag:$0x1], $0x80, $0x38;
	[tilespmem:$0x7000] =	vst v63  }
0x84: {  	s29 =	sadd.s32 $0xE0, s12;
	s28 =	sadd.s32 $0x4400, s13  }
0x85: {  	[hbm4b:s29+s3] =	stream.linear.scatter [tilespmem:s28], [sflag:$0x1], $0x80, $0x38;
	[tilespmem:$0x7000] =	vst v63  }
0x86: {  	s31 =	sadd.s32 $0x160, s12;
	s30 =	sadd.s32 $0x4800, s13  }
0x87: {  	[hbm4b:s31+s3] =	stream.linear.scatter [tilespmem:s30], [sflag:$0x1], $0x80, $0x38;
	[tilespmem:$0x7000] =	vst v63  }
0x88: {  	s17 =	sadd.s32 $0x1E0, s12;
	s16 =	sadd.s32 $0x4C00, s13  }
0x89: {  	[hbm4b:s17+s3] =	stream.linear.scatter [tilespmem:s16], [sflag:$0x1], $0x80, $0x38;
	[tilespmem:$0x7000] =	vst v63  }
0x8a: {  	s19 =	sadd.s32 $0x260, s12;
	s18 =	sadd.s32 $0x5000, s13  }
0x8b: {  	[hbm4b:s19+s3] =	stream.linear.scatter [tilespmem:s18], [sflag:$0x1], $0x80, $0x38;
	[tilespmem:$0x7000] =	vst v63  }
0x8c: {  	s21 =	spop (v2sf)  }
0x8d: {  	s20 =	sadd.s32 $0x2E0, s12;
	s13 =	sadd.s32 $0x5400, s13;
	s22 =	sshrl.u32 s21, $0x3  }
0x8e: {  	(v2sf) =	vpush v0, $0x8;
	[hbm4b:s20+s3] =	stream.linear.scatter [tilespmem:s13], [sflag:$0x1], $0x80, $0x38;
	[tilespmem:$0x7000] =	vst v63  }
0x8f: {  	s14 =	smul.u32 $0x6000, s22  }
0x90: {  	s13 =	sshll.u32 s21, $0x7  }
0x91: {  	s13 =	sand.u32 $0x380, s13;
	s14 =	sshra.s32 s14, $0x2  }
0x92: {  	s13 =	sor.u32 s13, s14  }
0x93: {  	s23 =	sadd.s32 $0x70, s12;
	s24 =	sadd.s32 $0x4000, s13  }
0x94: {  	[hbm4b:s23+s3] =	stream.linear.scatter [tilespmem:s24], [sflag:$0x1], $0x80, $0x38;
	[tilespmem:$0x7000] =	vst v63  }
0x95: {  	s26 =	sadd.s32 $0xF0, s12;
	s25 =	sadd.s32 $0x4400, s13  }
0x96: {  	[hbm4b:s26+s3] =	stream.linear.scatter [tilespmem:s25], [sflag:$0x1], $0x80, $0x38;
	[tilespmem:$0x7000] =	vst v63  }
0x97: {  	s29 =	sadd.s32 $0x170, s12;
	s28 =	sadd.s32 $0x4800, s13  }
0x98: {  	[hbm4b:s29+s3] =	stream.linear.scatter [tilespmem:s28], [sflag:$0x1], $0x80, $0x38;
	[tilespmem:$0x7000] =	vst v63  }
0x99: {  	s31 =	sadd.s32 $0x1F0, s12;
	s30 =	sadd.s32 $0x4C00, s13  }
0x9a: {  	[hbm4b:s31+s3] =	stream.linear.scatter [tilespmem:s30], [sflag:$0x1], $0x80, $0x38;
	[tilespmem:$0x7000] =	vst v63  }
0x9b: {  	s17 =	sadd.s32 $0x270, s12;
	s16 =	sadd.s32 $0x5000, s13  }
0x9c: {  	[hbm4b:s17+s3] =	stream.linear.scatter [tilespmem:s16], [sflag:$0x1], $0x80, $0x38;
	[tilespmem:$0x7000] =	vst v63  }
0x9d: {  	s19 =	spop (v2sf)  }
0x9e: {  	s18 =	sadd.s32 $0x2F0, s12;
	s13 =	sadd.s32 $0x5400, s13;
	s20 =	sshrl.u32 s19, $0x3  }
0x9f: {  	(v2sf) =	vpush v0, $0x9;
	[hbm4b:s18+s3] =	stream.linear.scatter [tilespmem:s13], [sflag:$0x1], $0x80, $0x38;
	[tilespmem:$0x7000] =	vst v63  }
0xa0: {  	s14 =	smul.u32 $0x6000, s20  }
0xa1: {  	s13 =	sshll.u32 s19, $0x7  }
0xa2: {  	s13 =	sand.u32 $0x380, s13;
	s14 =	sshra.s32 s14, $0x2  }
0xa3: {  	s13 =	sor.u32 s13, s14  }
0xa4: {  	s21 =	sadd.s32 $0x300, s12;
	s22 =	sadd.s32 $0x4000, s13  }
0xa5: {  	[hbm4b:s21+s3] =	stream.linear.scatter [tilespmem:s22], [sflag:$0x1], $0x80, $0x38;
	[tilespmem:$0x7000] =	vst v63  }
0xa6: {  	s24 =	sadd.s32 $0x380, s12;
	s23 =	sadd.s32 $0x4400, s13  }
0xa7: {  	[hbm4b:s24+s3] =	stream.linear.scatter [tilespmem:s23], [sflag:$0x1], $0x80, $0x38;
	[tilespmem:$0x7000] =	vst v63  }
0xa8: {  	s26 =	sadd.s32 $0x400, s12;
	s25 =	sadd.s32 $0x4800, s13  }
0xa9: {  	[hbm4b:s26+s3] =	stream.linear.scatter [tilespmem:s25], [sflag:$0x1], $0x80, $0x38;
	[tilespmem:$0x7000] =	vst v63  }
0xaa: {  	s29 =	sadd.s32 $0x480, s12;
	s28 =	sadd.s32 $0x4C00, s13  }
0xab: {  	[hbm4b:s29+s3] =	stream.linear.scatter [tilespmem:s28], [sflag:$0x1], $0x80, $0x38;
	[tilespmem:$0x7000] =	vst v63  }
0xac: {  	s31 =	sadd.s32 $0x500, s12;
	s30 =	sadd.s32 $0x5000, s13  }
0xad: {  	[hbm4b:s31+s3] =	stream.linear.scatter [tilespmem:s30], [sflag:$0x1], $0x80, $0x38;
	[tilespmem:$0x7000] =	vst v63  }
0xae: {  	s17 =	spop (v2sf)  }
0xaf: {  	s16 =	sadd.s32 $0x580, s12;
	s13 =	sadd.s32 $0x5400, s13;
	s18 =	sshrl.u32 s17, $0x3  }
0xb0: {  	(v2sf) =	vpush v0, $0xA;
	[hbm4b:s16+s3] =	stream.linear.scatter [tilespmem:s13], [sflag:$0x1], $0x80, $0x38;
	[tilespmem:$0x7000] =	vst v63  }
0xb1: {  	s14 =	smul.u32 $0x6000, s18  }
0xb2: {  	s13 =	sshll.u32 s17, $0x7  }
0xb3: {  	s13 =	sand.u32 $0x380, s13;
	s14 =	sshra.s32 s14, $0x2  }
0xb4: {  	s13 =	sor.u32 s13, s14  }
0xb5: {  	s19 =	sadd.s32 $0x310, s12;
	s20 =	sadd.s32 $0x4000, s13  }
0xb6: {  	[hbm4b:s19+s3] =	stream.linear.scatter [tilespmem:s20], [sflag:$0x1], $0x80, $0x38;
	[tilespmem:$0x7000] =	vst v63  }
0xb7: {  	s22 =	sadd.s32 $0x390, s12;
	s21 =	sadd.s32 $0x4400, s13  }
0xb8: {  	[hbm4b:s22+s3] =	stream.linear.scatter [tilespmem:s21], [sflag:$0x1], $0x80, $0x38;
	[tilespmem:$0x7000] =	vst v63  }
0xb9: {  	s24 =	sadd.s32 $0x410, s12;
	s23 =	sadd.s32 $0x4800, s13  }
0xba: {  	[hbm4b:s24+s3] =	stream.linear.scatter [tilespmem:s23], [sflag:$0x1], $0x80, $0x38;
	[tilespmem:$0x7000] =	vst v63  }
0xbb: {  	s26 =	sadd.s32 $0x490, s12;
	s25 =	sadd.s32 $0x4C00, s13  }
0xbc: {  	[hbm4b:s26+s3] =	stream.linear.scatter [tilespmem:s25], [sflag:$0x1], $0x80, $0x38;
	[tilespmem:$0x7000] =	vst v63  }
0xbd: {  	s29 =	sadd.s32 $0x510, s12;
	s28 =	sadd.s32 $0x5000, s13  }
0xbe: {  	[hbm4b:s29+s3] =	stream.linear.scatter [tilespmem:s28], [sflag:$0x1], $0x80, $0x38;
	[tilespmem:$0x7000] =	vst v63  }
0xbf: {  	s31 =	spop (v2sf)  }
0xc0: {  	s30 =	sadd.s32 $0x590, s12;
	s13 =	sadd.s32 $0x5400, s13;
	s15 =	sshrl.u32 s31, $0x3  }
0xc1: {  	(v2sf) =	vpush v0, $0xB;
	[hbm4b:s30+s3] =	stream.linear.scatter [tilespmem:s13], [sflag:$0x1], $0x80, $0x38;
	[tilespmem:$0x7000] =	vst v63  }
0xc2: {  	s14 =	smul.u32 $0x6000, s15  }
0xc3: {  	s13 =	sshll.u32 s31, $0x7  }
0xc4: {  	s13 =	sand.u32 $0x380, s13;
	s14 =	sshra.s32 s14, $0x2  }
0xc5: {  	s13 =	sor.u32 s13, s14  }
0xc6: {  	s16 =	sadd.s32 $0x320, s12;
	s17 =	sadd.s32 $0x4000, s13  }
0xc7: {  	[hbm4b:s16+s3] =	stream.linear.scatter [tilespmem:s17], [sflag:$0x1], $0x80, $0x38;
	[tilespmem:$0x7000] =	vst v63  }
0xc8: {  	s19 =	sadd.s32 $0x3A0, s12;
	s18 =	sadd.s32 $0x4400, s13  }
0xc9: {  	[hbm4b:s19+s3] =	stream.linear.scatter [tilespmem:s18], [sflag:$0x1], $0x80, $0x38;
	[tilespmem:$0x7000] =	vst v63  }
0xca: {  	s21 =	sadd.s32 $0x420, s12;
	s20 =	sadd.s32 $0x4800, s13  }
0xcb: {  	[hbm4b:s21+s3] =	stream.linear.scatter [tilespmem:s20], [sflag:$0x1], $0x80, $0x38;
	[tilespmem:$0x7000] =	vst v63  }
0xcc: {  	s23 =	sadd.s32 $0x4A0, s12;
	s22 =	sadd.s32 $0x4C00, s13  }
0xcd: {  	[hbm4b:s23+s3] =	stream.linear.scatter [tilespmem:s22], [sflag:$0x1], $0x80, $0x38;
	[tilespmem:$0x7000] =	vst v63  }
0xce: {  	s25 =	sadd.s32 $0x520, s12;
	s24 =	sadd.s32 $0x5000, s13  }
0xcf: {  	[hbm4b:s25+s3] =	stream.linear.scatter [tilespmem:s24], [sflag:$0x1], $0x80, $0x38;
	[tilespmem:$0x7000] =	vst v63  }
0xd0: {  	s28 =	spop (v2sf)  }
0xd1: {  	s26 =	sadd.s32 $0x5A0, s12;
	s13 =	sadd.s32 $0x5400, s13;
	s29 =	sshrl.u32 s28, $0x3  }
0xd2: {  	(v2sf) =	vpush v0, $0xC;
	[hbm4b:s26+s3] =	stream.linear.scatter [tilespmem:s13], [sflag:$0x1], $0x80, $0x38;
	[tilespmem:$0x7000] =	vst v63  }
0xd3: {  	s14 =	smul.u32 $0x6000, s29  }
0xd4: {  	s13 =	sshll.u32 s28, $0x7  }
0xd5: {  	s13 =	sand.u32 $0x380, s13;
	s14 =	sshra.s32 s14, $0x2  }
0xd6: {  	s13 =	sor.u32 s13, s14  }
0xd7: {  	s30 =	sadd.s32 $0x330, s12;
	s31 =	sadd.s32 $0x4000, s13  }
0xd8: {  	[hbm4b:s30+s3] =	stream.linear.scatter [tilespmem:s31], [sflag:$0x1], $0x80, $0x38;
	[tilespmem:$0x7000] =	vst v63  }
0xd9: {  	s17 =	sadd.s32 $0x3B0, s12;
	s16 =	sadd.s32 $0x4400, s13  }
0xda: {  	[hbm4b:s17+s3] =	stream.linear.scatter [tilespmem:s16], [sflag:$0x1], $0x80, $0x38;
	[tilespmem:$0x7000] =	vst v63  }
0xdb: {  	s19 =	sadd.s32 $0x430, s12;
	s18 =	sadd.s32 $0x4800, s13  }
0xdc: {  	[hbm4b:s19+s3] =	stream.linear.scatter [tilespmem:s18], [sflag:$0x1], $0x80, $0x38;
	[tilespmem:$0x7000] =	vst v63  }
0xdd: {  	s21 =	sadd.s32 $0x4B0, s12;
	s20 =	sadd.s32 $0x4C00, s13  }
0xde: {  	[hbm4b:s21+s3] =	stream.linear.scatter [tilespmem:s20], [sflag:$0x1], $0x80, $0x38;
	[tilespmem:$0x7000] =	vst v63  }
0xdf: {  	s23 =	sadd.s32 $0x530, s12;
	s22 =	sadd.s32 $0x5000, s13  }
0xe0: {  	[hbm4b:s23+s3] =	stream.linear.scatter [tilespmem:s22], [sflag:$0x1], $0x80, $0x38;
	[tilespmem:$0x7000] =	vst v63  }
0xe1: {  	s25 =	spop (v2sf)  }
0xe2: {  	s24 =	sadd.s32 $0x5B0, s12;
	s13 =	sadd.s32 $0x5400, s13;
	s26 =	sshrl.u32 s25, $0x3  }
0xe3: {  	(v2sf) =	vpush v0, $0xD;
	[hbm4b:s24+s3] =	stream.linear.scatter [tilespmem:s13], [sflag:$0x1], $0x80, $0x38;
	[tilespmem:$0x7000] =	vst v63  }
0xe4: {  	s14 =	smul.u32 $0x6000, s26  }
0xe5: {  	s13 =	sshll.u32 s25, $0x7  }
0xe6: {  	s13 =	sand.u32 $0x380, s13;
	s14 =	sshra.s32 s14, $0x2  }
0xe7: {  	s13 =	sor.u32 s13, s14  }
0xe8: {  	s28 =	sadd.s32 $0x340, s12;
	s29 =	sadd.s32 $0x4000, s13  }
0xe9: {  	[hbm4b:s28+s3] =	stream.linear.scatter [tilespmem:s29], [sflag:$0x1], $0x80, $0x38;
	[tilespmem:$0x7000] =	vst v63  }
0xea: {  	s31 =	sadd.s32 $0x3C0, s12;
	s30 =	sadd.s32 $0x4400, s13  }
0xeb: {  	[hbm4b:s31+s3] =	stream.linear.scatter [tilespmem:s30], [sflag:$0x1], $0x80, $0x38;
	[tilespmem:$0x7000] =	vst v63  }
0xec: {  	s17 =	sadd.s32 $0x440, s12;
	s16 =	sadd.s32 $0x4800, s13  }
0xed: {  	[hbm4b:s17+s3] =	stream.linear.scatter [tilespmem:s16], [sflag:$0x1], $0x80, $0x38;
	[tilespmem:$0x7000] =	vst v63  }
0xee: {  	s19 =	sadd.s32 $0x4C0, s12;
	s18 =	sadd.s32 $0x4C00, s13  }
0xef: {  	[hbm4b:s19+s3] =	stream.linear.scatter [tilespmem:s18], [sflag:$0x1], $0x80, $0x38;
	[tilespmem:$0x7000] =	vst v63  }
0xf0: {  	s21 =	sadd.s32 $0x540, s12;
	s20 =	sadd.s32 $0x5000, s13  }
0xf1: {  	[hbm4b:s21+s3] =	stream.linear.scatter [tilespmem:s20], [sflag:$0x1], $0x80, $0x38;
	[tilespmem:$0x7000] =	vst v63  }
0xf2: {  	s23 =	spop (v2sf)  }
0xf3: {  	s22 =	sadd.s32 $0x5C0, s12;
	s13 =	sadd.s32 $0x5400, s13;
	s24 =	sshrl.u32 s23, $0x3  }
0xf4: {  	(v2sf) =	vpush v0, $0xE;
	[hbm4b:s22+s3] =	stream.linear.scatter [tilespmem:s13], [sflag:$0x1], $0x80, $0x38;
	[tilespmem:$0x7000] =	vst v63  }
0xf5: {  	s14 =	smul.u32 $0x6000, s24  }
0xf6: {  	s13 =	sshll.u32 s23, $0x7  }
0xf7: {  	s13 =	sand.u32 $0x380, s13;
	s14 =	sshra.s32 s14, $0x2  }
0xf8: {  	s13 =	sor.u32 s13, s14  }
0xf9: {  	s25 =	sadd.s32 $0x350, s12;
	s26 =	sadd.s32 $0x4000, s13  }
0xfa: {  	[hbm4b:s25+s3] =	stream.linear.scatter [tilespmem:s26], [sflag:$0x1], $0x80, $0x38;
	[tilespmem:$0x7000] =	vst v63  }
0xfb: {  	s29 =	sadd.s32 $0x3D0, s12;
	s28 =	sadd.s32 $0x4400, s13  }
0xfc: {  	[hbm4b:s29+s3] =	stream.linear.scatter [tilespmem:s28], [sflag:$0x1], $0x80, $0x38;
	[tilespmem:$0x7000] =	vst v63  }
0xfd: {  	s31 =	sadd.s32 $0x450, s12;
	s30 =	sadd.s32 $0x4800, s13  }
0xfe: {  	[hbm4b:s31+s3] =	stream.linear.scatter [tilespmem:s30], [sflag:$0x1], $0x80, $0x38;
	[tilespmem:$0x7000] =	vst v63  }
0xff: {  	s17 =	sadd.s32 $0x4D0, s12;
	s16 =	sadd.s32 $0x4C00, s13  }
0x100: {  	[hbm4b:s17+s3] =	stream.linear.scatter [tilespmem:s16], [sflag:$0x1], $0x80, $0x38;
	[tilespmem:$0x7000] =	vst v63  }
0x101: {  	s19 =	sadd.s32 $0x550, s12;
	s18 =	sadd.s32 $0x5000, s13  }
0x102: {  	[hbm4b:s19+s3] =	stream.linear.scatter [tilespmem:s18], [sflag:$0x1], $0x80, $0x38;
	[tilespmem:$0x7000] =	vst v63  }
0x103: {  	s21 =	spop (v2sf)  }
0x104: {  	s20 =	sadd.s32 $0x5D0, s12;
	s13 =	sadd.s32 $0x5400, s13;
	s22 =	sshrl.u32 s21, $0x3  }
0x105: {  	(v2sf) =	vpush v0, $0xF;
	[hbm4b:s20+s3] =	stream.linear.scatter [tilespmem:s13], [sflag:$0x1], $0x80, $0x38;
	[tilespmem:$0x7000] =	vst v63  }
0x106: {  	s14 =	smul.u32 $0x6000, s22  }
0x107: {  	s13 =	sshll.u32 s21, $0x7  }
0x108: {  	s13 =	sand.u32 $0x380, s13;
	s14 =	sshra.s32 s14, $0x2  }
0x109: {  	s13 =	sor.u32 s13, s14  }
0x10a: {  	s23 =	sadd.s32 $0x360, s12;
	s24 =	sadd.s32 $0x4000, s13  }
0x10b: {  	[hbm4b:s23+s3] =	stream.linear.scatter [tilespmem:s24], [sflag:$0x1], $0x80, $0x38;
	[tilespmem:$0x7000] =	vst v63  }
0x10c: {  	s26 =	sadd.s32 $0x3E0, s12;
	s25 =	sadd.s32 $0x4400, s13  }
0x10d: {  	[hbm4b:s26+s3] =	stream.linear.scatter [tilespmem:s25], [sflag:$0x1], $0x80, $0x38;
	[tilespmem:$0x7000] =	vst v63  }
0x10e: {  	s29 =	sadd.s32 $0x460, s12;
	s28 =	sadd.s32 $0x4800, s13  }
0x10f: {  	[hbm4b:s29+s3] =	stream.linear.scatter [tilespmem:s28], [sflag:$0x1], $0x80, $0x38;
	[tilespmem:$0x7000] =	vst v63  }
0x110: {  	s31 =	sadd.s32 $0x4E0, s12;
	s30 =	sadd.s32 $0x4C00, s13  }
0x111: {  	[hbm4b:s31+s3] =	stream.linear.scatter [tilespmem:s30], [sflag:$0x1], $0x80, $0x38;
	[tilespmem:$0x7000] =	vst v63  }
0x112: {  	s17 =	sadd.s32 $0x560, s12;
	s16 =	sadd.s32 $0x5000, s13  }
0x113: {  	[hbm4b:s17+s3] =	stream.linear.scatter [tilespmem:s16], [sflag:$0x1], $0x80, $0x38;
	[tilespmem:$0x7000] =	vst v63  }
0x114: {  	s19 =	spop (v2sf)  }
0x115: {  	s18 =	sadd.s32 $0x5E0, s12;
	s13 =	sadd.s32 $0x5400, s13;
	s20 =	sshrl.u32 s19, $0x3  }
0x116: {  	[hbm4b:s18+s3] =	stream.linear.scatter [tilespmem:s13], [sflag:$0x1], $0x80, $0x38;
	[tilespmem:$0x7000] =	vst v63  }
0x117: {  	s14 =	smul.u32 $0x6000, s20  }
0x118: {  	s13 =	sshll.u32 s19, $0x7  }
0x119: {  	s13 =	sand.u32 $0x380, s13;
	s14 =	sshra.s32 s14, $0x2  }
0x11a: {  	s13 =	sor.u32 s13, s14  }
0x11b: {  	s21 =	sadd.s32 $0x370, s12;
	s22 =	sadd.s32 $0x4000, s13  }
0x11c: {  	[hbm4b:s21+s3] =	stream.linear.scatter [tilespmem:s22], [sflag:$0x1], $0x80, $0x38;
	[tilespmem:$0x7000] =	vst v63  }
0x11d: {  	s24 =	sadd.s32 $0x3F0, s12;
	s23 =	sadd.s32 $0x4400, s13  }
0x11e: {  	[hbm4b:s24+s3] =	stream.linear.scatter [tilespmem:s23], [sflag:$0x1], $0x80, $0x38;
	[tilespmem:$0x7000] =	vst v63  }
0x11f: {  	s26 =	sadd.s32 $0x470, s12;
	s25 =	sadd.s32 $0x4800, s13  }
0x120: {  	[hbm4b:s26+s3] =	stream.linear.scatter [tilespmem:s25], [sflag:$0x1], $0x80, $0x38;
	[tilespmem:$0x7000] =	vst v63  }
0x121: {  	p0 =	sne.s32 s11, $0x2FA00;
	s29 =	sadd.s32 $0x4F0, s12;
	s28 =	sadd.s32 $0x4C00, s13  }
0x122: {  	[hbm4b:s29+s3] =	stream.linear.scatter [tilespmem:s28], [sflag:$0x1], $0x80, $0x38;
	[tilespmem:$0x7000] =	vst v63  }
.Ltmp0:
0x123: {  	_ = 	snop;
	(pc) =	sbr.rel @p0 .LBB2_2-.Ltmp0, $4  }
0x124: {  	s10 =	sadd.s32 $0x80, s10;
	s31 =	sadd.s32 $0x570, s12;
	s30 =	sadd.s32 $0x5000, s13  }
0x125: {  	[hbm4b:s31+s3] =	stream.linear.scatter [tilespmem:s30], [sflag:$0x1], $0x80, $0x38;
	[tilespmem:$0x7000] =	vst v63  }
0x126: {  	s11 =	sadd.s32 $0x600, s11;
	s12 =	sadd.s32 $0x5F0, s12;
	s13 =	sadd.s32 $0x5400, s13  }
0x127: {  	[hbm4b:s12+s3] =	stream.linear.scatter [tilespmem:s13], [sflag:$0x1], $0x80, $0x38;
	[tilespmem:$0x7000] =	vst v63  }
0x128: {  	_ =	swait.ge [sflag:s8], $0x3000  }
0x129: {  	s10 =	simm.s32 $0x7F;
	[sflag:s8] =	ssyncset.done $0x0  }
.LBB2_4:
0x12a: {  	p0 =	sne.s32 s10, $0x1;
	s10 =	sadd.s32 $0xFFFFFFFF, s10;
	[sflag:s8] =	ssyncadd.s32 $0xFFFFD000  }
.Ltmp1:
0x12b: {  	(pc) =	sbr.rel @p0 .LBB2_4-.Ltmp1, $3  }
0x12c: {  	_ =	sdelay $0x1  }
0x12d: {  	_ =	swait.ge [sflag:s8], $0x3000  }
0x12e: {  	[sflag:s8] =	ssyncset.done $0x0  }
0x12f: {  	s9 =	sadd.s32 $0x1, s9  }
0x130: {  	p0 =	sne.s32 s9, s5  }
.Ltmp2:
0x131: {  	_ = 	snop;
	(pc) =	sbr.rel @p0 .LBB2_1-.Ltmp2, $2  }
0x132: {  	_ =	sdelay $0x2  }
0x133: {  	[sflag:s8] =	ssyncadd.s32 $0xFFFFD000  }
0x134: {  	_ =	sfence.sel $0x180000  }
0x135: {  	[bflag:$0x0] =	sbarrier.arrive $0xFFFF  }
0x136: {  	p0 =	sne.s32 s0, $0x0;
	_ =	strace $0x90000047  }
0x137: {  	s0 =	sadd.s32 @!p0 $0x100000, s1;
	[bflag:$0x2] =	sbarrier.arrive $0xFFFF  }
0x138: {  	[sflag:s0] =	ssyncadd.tile.s32 @!p0 $0x1;
	_ =	shalt  }
.Lfunc_end2:
_tile_overlayer_lowered:
.L_overlay_start_2:
0x139: {  	(tag) =	ssettag $0x2  }
0x13a: {  	s0 =	rddreg [dreg:$0x0];
	s2 =	stileid.u32  }
0x13b: {  	s1 =	rddreg [dreg:$0x1];
	p0 =	sne.s32 s2, $0x0  }
0x13c: {  	s3 =	rddreg [dreg:$0x2];
	[bflag:$0x3] =	sbarrier.arrive $0xFFFF;
	s2 =	simm.s32 @!p0 $0x1C03  }
0x13d: {  	[timem:s3], [sflag:s2] =	dma.local @!p0 [hbm:s0], s1  }
0x13e: {  	s0 =	simm.s32 @!p0 $0x3  }
0x13f: {  	_ =	swait.ge @!p0 [sflag:s0], s1  }
0x140: {  	s1 =	ssub.s32 @!p0 $0x0, s1;
	[sflag:s0] =	ssyncset.done @!p0 $0x0  }
0x141: {  	[sflag:s0] =	ssyncadd.s32 @!p0 s1  }
0x142: {  	[bflag:$0x3] =	sbarrier.arrive $0xFFFF  }
0x143: {  	_ =	shalt  }

</sc_bundles>
